<compile_context>
chip_gen: v7x
topology: tpu7x:2x2x1
jax: 0.10.2.dev20260603
libtpu: 0.0.44.dev20260713+nightly
codegen_flags: <defaults>
</compile_context>

<pallas_src>
import functools

import jax
import jax.numpy as jnp
from jax import lax
from jax.experimental import pallas as pl
from jax.experimental.pallas import tpu as pltpu
from jax.experimental.pallas import tpu_sc as plsc

N, T, NP, D_IN, D, TOPK = 8, 16, 196, 384, 4, 12
NF = N * T
NPAD = 208
NEG = -3.0e38

NC, NS, L = 2, 16, 16
NW = NC * NS
ROWS_PER_W = NF // NW
NCHUNK = NPAD // L


def _scores_body(x_ref, w_ref, out_ref):
    scale = 1.0 / jnp.sqrt(jnp.float32(D_IN))
    pad = jnp.full((NPAD - NP,), NEG, jnp.float32)
    tb = x_ref.shape[2]
    xb = x_ref[0].reshape(NP * tb, D_IN)
    kq_all = lax.dot_general(
        xb, w_ref[...], (((1,), (0,)), ((), ())),
        preferred_element_type=jnp.float32,
        precision=lax.Precision.DEFAULT).reshape(NP, tb, 2 * D)
    for t in range(tb):
        kq = kq_all[:, t, :]
        k = kq[:, :D]
        q = kq[:, D:]
        h = lax.dot_general(
            k, q, (((1,), (1,)), ((), ())),
            preferred_element_type=jnp.float32,
            precision=lax.Precision.DEFAULT)
        s = h * scale
        m = jnp.max(s, axis=1, keepdims=True)
        e = jnp.exp(s - m)
        z = jnp.sum(e, axis=1, keepdims=True)
        a = jnp.sum(e / z, axis=0)
        out_ref[0, t, :] = jnp.concatenate([a, pad])


TSPLIT = 1


def _scores(xt, w):
    n = xt.shape[0]
    tb = T // TSPLIT
    return pl.pallas_call(
        _scores_body,
        grid=(n, TSPLIT),
        in_specs=[
            pl.BlockSpec((1, NP, tb, D_IN), lambda i, j: (i, 0, j, 0)),
            pl.BlockSpec((D_IN, 2 * D), lambda i, j: (0, 0)),
        ],
        out_specs=pl.BlockSpec((1, tb, NPAD), lambda i, j: (i, j, 0)),
        out_shape=jax.ShapeDtypeStruct((n, T, NPAD), jnp.float32),
    )(xt, w)


_GDN = lax.GatherDimensionNumbers(
    offset_dims=(), collapsed_slice_dims=(0,), start_index_map=(0,))


def _shuffle(v, idx):
    return lax.gather(v, idx[:, None], _GDN, slice_sizes=(1,),
                      mode=lax.GatherScatterMode.PROMISE_IN_BOUNDS)


def _allmax(v, perms):
    for p in perms:
        v = jnp.maximum(v, _shuffle(v, p))
    return v


def _topk_body(a_hbm, out_hbm, rows_v, idx_v):
    wid = lax.axis_index("s") * NC + lax.axis_index("c")
    base = wid * ROWS_PER_W
    pltpu.sync_copy(a_hbm.at[pl.ds(base, ROWS_PER_W)], rows_v)
    lane = lax.iota(jnp.int32, L)
    perms = [lane ^ d for d in (1, 2, 4, 8)]
    for r in range(ROWS_PER_W):
        vals = [rows_v[r, pl.ds(c * L, L)] for c in range(NCHUNK)]
        idxs = [lane + c * L for c in range(NCHUNK)]
        out_vec = jnp.zeros((L,), jnp.int32)

        def step(t, carry):
            vals_c = list(carry[:NCHUNK])
            out_c = carry[NCHUNK]
            m_val, m_idx = vals_c[0], idxs[0]
            for c in range(1, NCHUNK):
                take = vals_c[c] >= m_val
                m_val = jnp.where(take, vals_c[c], m_val)
                m_idx = jnp.where(take, idxs[c], m_idx)
            gm = _allmax(m_val, perms)
            gi = _allmax(jnp.where(m_val == gm, m_idx, -1), perms)
            out_c = jnp.where(lane == t, gi, out_c)
            for c in range(NCHUNK):
                vals_c[c] = jnp.where(idxs[c] == gi, NEG, vals_c[c])
            return tuple(vals_c) + (out_c,)

        res = lax.fori_loop(0, TOPK, step, tuple(vals) + (out_vec,))
        idx_v[r, :] = res[NCHUNK]
    pltpu.sync_copy(idx_v, out_hbm.at[pl.ds(base, ROWS_PER_W)])


def _topk(a):
    mesh = plsc.VectorSubcoreMesh(core_axis_name="c", subcore_axis_name="s")
    f = functools.partial(
        pl.kernel,
        out_type=jax.ShapeDtypeStruct((NF, L), jnp.int32),
        mesh=mesh,
        scratch_types=[
            pltpu.VMEM((ROWS_PER_W, NPAD), jnp.float32),
            pltpu.VMEM((ROWS_PER_W, L), jnp.int32),
        ],
    )(_topk_body)
    return f(a)


def kernel(x, wk, wq):
    xt = jnp.transpose(x, (0, 2, 1, 3))
    w = jnp.concatenate([wk, wq], axis=1)
    a = _scores(xt, w).reshape(NF, NPAD)
    idx = _topk(a)
    return idx[:, :TOPK].reshape(N, T, TOPK, 1)

# --- scband reference (transcript-rebuilt; emitter-appended) ---
"""Pipeline reference for scband-sparse-attention-11725260718205 (READ-ONLY COPY).

The authoritative reference and input builder live on the scoring server;
editing this copy changes nothing except your own understanding.
"""

import jax, jax.numpy as jnp
import numpy as np

N, T, NP, D_IN, D, TOPK = 8, 16, 196, 384, 4, 12

def setup_inputs(seed: int = 0) -> dict:
    key = jax.random.key(seed)
    k1, k2, k3 = jax.random.split(key, 3)
    x = jax.random.normal(k1, (N, T, NP, D_IN), dtype=jnp.float32)
    wk = jax.random.normal(k2, (D_IN, D), dtype=jnp.float32)
    wq = jax.random.normal(k3, (D_IN, D), dtype=jnp.float32)
    return {"x": x, "wk": wk, "wq": wq}

def reference(x, wk, wq):
    n_, t_, n_tok, d_in = x.shape
    xf = x.reshape(-1, n_tok, d_in)
    k = jnp.matmul(xf, wk)              # (N*T, n, d)
    q = jnp.matmul(xf, wq)              # (N*T, n, d)
    h = jnp.matmul(k, jnp.swapaxes(q, 1, 2))  # (N*T, n, n)
    scale = 1.0 / jnp.sqrt(jnp.asarray(d_in, dtype=jnp.float32))
    A = jax.nn.softmax(scale * h, axis=-1).sum(axis=-2)  # (N*T, n)
    idxs = jnp.argsort(A, axis=-1)[:, ::-1][:, :TOPK]    # descending top-k indices
    return idxs.reshape(n_, t_, TOPK, 1)

if __name__ == "__main__":
    import jax
    _d = setup_inputs()
    print(jax.jit(kernel)(*tuple(_d.values())))

</pallas_src>

<mosaic_0001>
#map = affine_map<(d0, d1) -> (0, 0)>
module attributes {stable_mosaic.version = 14 : i64} {
  func.func @_topk_body(%arg0: i32, %arg1: i32, %arg2: memref<128x208xf32, #tpu.memory_space<hbm>>, %arg3: memref<128x16xi32, #tpu.memory_space<hbm>>, %arg4: memref<4x208xf32, #tpu.memory_space<vmem>>, %arg5: memref<4x16xi32, #tpu.memory_space<vmem>>) attributes {dimension_semantics = [#tpu.dimension_semantics<core_parallel>, #tpu.dimension_semantics<subcore_parallel>], iteration_bounds = array<i64: 2, 16>, scalar_prefetch = 0 : i64, scratch_operands = 2 : i64, tpu.core_type = #tpu.core_type<sc_vector_subcore>, window_params = [{transform_indices = #map}, {transform_indices = #map}]} {
    %mul3A = arith.constant 2 : i32
    %mul3A_0 = arith.muli %arg1, %mul3A : i32
    %add3A = arith.addi %mul3A_0, %arg0 : i32
    %mul3A_1 = arith.constant 4 : i32
    %mul3A_2 = arith.muli %add3A, %mul3A_1 : i32
    "tpu.region"() ({
      %run_scoped3A = tpu.sem_alloc : memref<!tpu.dma_semaphore, #tpu.memory_space<semaphore_mem>>
      %dma_start3A = arith.constant 0 : i32
      %dma_start3A_482 = tpu.memref_slice %arg2[%mul3A_2, %dma_start3A] : memref<128x208xf32, #tpu.memory_space<hbm>> -> memref<4x208xf32, #tpu.memory_space<hbm>>
      %dma_start3A_483 = arith.constant 0 : i32
      %dma_start3A_484 = tpu.memref_slice %arg2[%mul3A_2, %dma_start3A_483] : memref<128x208xf32, #tpu.memory_space<hbm>> -> memref<4x208xf32, #tpu.memory_space<hbm>>
      tpu.enqueue_dma source(%dma_start3A_484 : memref<4x208xf32, #tpu.memory_space<hbm>>) target(%arg4 : memref<4x208xf32, #tpu.memory_space<vmem>>) target_semaphore(%run_scoped3A : memref<!tpu.dma_semaphore, #tpu.memory_space<semaphore_mem>>)
      %dma_wait3A = arith.constant 0 : i32
      %dma_wait3A_485 = tpu.memref_slice %arg2[%mul3A_2, %dma_wait3A] : memref<128x208xf32, #tpu.memory_space<hbm>> -> memref<4x208xf32, #tpu.memory_space<hbm>>
      %dma_wait3A_486 = arith.constant 0 : i32
      %dma_wait3A_487 = tpu.memref_slice %arg2[%mul3A_2, %dma_wait3A_486] : memref<128x208xf32, #tpu.memory_space<hbm>> -> memref<4x208xf32, #tpu.memory_space<hbm>>
      tpu.wait_dma2 semaphore(%run_scoped3A : memref<!tpu.dma_semaphore, #tpu.memory_space<semaphore_mem>>) src(%dma_wait3A_487 : memref<4x208xf32, #tpu.memory_space<hbm>>) dst(%arg4 : memref<4x208xf32, #tpu.memory_space<vmem>>)
      tpu.yield
    }) : () -> ()
    %iota3A = tpu.iota {dimensions = array<i32: 0>} : vector<16xi32>
    %xor3A = arith.constant 1 : i32
    %xor3A_3 = vector.broadcast %xor3A : i32 to vector<16xi32>
    %xor3A_4 = arith.xori %iota3A, %xor3A_3 : vector<16xi32>
    %xor3A_5 = arith.constant 2 : i32
    %xor3A_6 = vector.broadcast %xor3A_5 : i32 to vector<16xi32>
    %xor3A_7 = arith.xori %iota3A, %xor3A_6 : vector<16xi32>
    %xor3A_8 = arith.constant 4 : i32
    %xor3A_9 = vector.broadcast %xor3A_8 : i32 to vector<16xi32>
    %xor3A_10 = arith.xori %iota3A, %xor3A_9 : vector<16xi32>
    %xor3A_11 = arith.constant 8 : i32
    %xor3A_12 = vector.broadcast %xor3A_11 : i32 to vector<16xi32>
    %xor3A_13 = arith.xori %iota3A, %xor3A_12 : vector<16xi32>
    %get3A = arith.constant 0 : i32
    %get3A_14 = arith.index_cast %get3A : i32 to index
    %get3A_15 = arith.constant 0 : index
    %get3A_16 = tpu.vector_load %arg4[%get3A_14, %get3A_15] {strides = array<i32>} : memref<4x208xf32, #tpu.memory_space<vmem>>, vector<1x16xf32>,
    %get3A_17 = vector.shape_cast %get3A_16 : vector<1x16xf32> to vector<16xf32>
    %get3A_18 = arith.constant 0 : i32
    %get3A_19 = arith.index_cast %get3A_18 : i32 to index
    %get3A_20 = arith.constant 16 : index
    %get3A_21 = tpu.vector_load %arg4[%get3A_19, %get3A_20] {strides = array<i32>} : memref<4x208xf32, #tpu.memory_space<vmem>>, vector<1x16xf32>,
    %get3A_22 = vector.shape_cast %get3A_21 : vector<1x16xf32> to vector<16xf32>
    %get3A_23 = arith.constant 0 : i32
    %get3A_24 = arith.index_cast %get3A_23 : i32 to index
    %get3A_25 = arith.constant 32 : index
    %get3A_26 = tpu.vector_load %arg4[%get3A_24, %get3A_25] {strides = array<i32>} : memref<4x208xf32, #tpu.memory_space<vmem>>, vector<1x16xf32>,
    %get3A_27 = vector.shape_cast %get3A_26 : vector<1x16xf32> to vector<16xf32>
    %get3A_28 = arith.constant 0 : i32
    %get3A_29 = arith.index_cast %get3A_28 : i32 to index
    %get3A_30 = arith.constant 48 : index
    %get3A_31 = tpu.vector_load %arg4[%get3A_29, %get3A_30] {strides = array<i32>} : memref<4x208xf32, #tpu.memory_space<vmem>>, vector<1x16xf32>,
    %get3A_32 = vector.shape_cast %get3A_31 : vector<1x16xf32> to vector<16xf32>
    %get3A_33 = arith.constant 0 : i32
    %get3A_34 = arith.index_cast %get3A_33 : i32 to index
    %get3A_35 = arith.constant 64 : index
    %get3A_36 = tpu.vector_load %arg4[%get3A_34, %get3A_35] {strides = array<i32>} : memref<4x208xf32, #tpu.memory_space<vmem>>, vector<1x16xf32>,
    %get3A_37 = vector.shape_cast %get3A_36 : vector<1x16xf32> to vector<16xf32>
    %get3A_38 = arith.constant 0 : i32
    %get3A_39 = arith.index_cast %get3A_38 : i32 to index
    %get3A_40 = arith.constant 80 : index
    %get3A_41 = tpu.vector_load %arg4[%get3A_39, %get3A_40] {strides = array<i32>} : memref<4x208xf32, #tpu.memory_space<vmem>>, vector<1x16xf32>,
    %get3A_42 = vector.shape_cast %get3A_41 : vector<1x16xf32> to vector<16xf32>
    %get3A_43 = arith.constant 0 : i32
    %get3A_44 = arith.index_cast %get3A_43 : i32 to index
    %get3A_45 = arith.constant 96 : index
    %get3A_46 = tpu.vector_load %arg4[%get3A_44, %get3A_45] {strides = array<i32>} : memref<4x208xf32, #tpu.memory_space<vmem>>, vector<1x16xf32>,
    %get3A_47 = vector.shape_cast %get3A_46 : vector<1x16xf32> to vector<16xf32>
    %get3A_48 = arith.constant 0 : i32
    %get3A_49 = arith.index_cast %get3A_48 : i32 to index
    %get3A_50 = arith.constant 112 : index
    %get3A_51 = tpu.vector_load %arg4[%get3A_49, %get3A_50] {strides = array<i32>} : memref<4x208xf32, #tpu.memory_space<vmem>>, vector<1x16xf32>,
    %get3A_52 = vector.shape_cast %get3A_51 : vector<1x16xf32> to vector<16xf32>
    %get3A_53 = arith.constant 0 : i32
    %get3A_54 = arith.index_cast %get3A_53 : i32 to index
    %get3A_55 = arith.constant 128 : index
    %get3A_56 = tpu.vector_load %arg4[%get3A_54, %get3A_55] {strides = array<i32>} : memref<4x208xf32, #tpu.memory_space<vmem>>, vector<1x16xf32>,
    %get3A_57 = vector.shape_cast %get3A_56 : vector<1x16xf32> to vector<16xf32>
    %get3A_58 = arith.constant 0 : i32
    %get3A_59 = arith.index_cast %get3A_58 : i32 to index
    %get3A_60 = arith.constant 144 : index
    %get3A_61 = tpu.vector_load %arg4[%get3A_59, %get3A_60] {strides = array<i32>} : memref<4x208xf32, #tpu.memory_space<vmem>>, vector<1x16xf32>,
    %get3A_62 = vector.shape_cast %get3A_61 : vector<1x16xf32> to vector<16xf32>
    %get3A_63 = arith.constant 0 : i32
    %get3A_64 = arith.index_cast %get3A_63 : i32 to index
    %get3A_65 = arith.constant 160 : index
    %get3A_66 = tpu.vector_load %arg4[%get3A_64, %get3A_65] {strides = array<i32>} : memref<4x208xf32, #tpu.memory_space<vmem>>, vector<1x16xf32>,
    %get3A_67 = vector.shape_cast %get3A_66 : vector<1x16xf32> to vector<16xf32>
    %get3A_68 = arith.constant 0 : i32
    %get3A_69 = arith.index_cast %get3A_68 : i32 to index
    %get3A_70 = arith.constant 176 : index
    %get3A_71 = tpu.vector_load %arg4[%get3A_69, %get3A_70] {strides = array<i32>} : memref<4x208xf32, #tpu.memory_space<vmem>>, vector<1x16xf32>,
    %get3A_72 = vector.shape_cast %get3A_71 : vector<1x16xf32> to vector<16xf32>
    %get3A_73 = arith.constant 0 : i32
    %get3A_74 = arith.index_cast %get3A_73 : i32 to index
    %get3A_75 = arith.constant 192 : index
    %get3A_76 = tpu.vector_load %arg4[%get3A_74, %get3A_75] {strides = array<i32>} : memref<4x208xf32, #tpu.memory_space<vmem>>, vector<1x16xf32>,
    %get3A_77 = vector.shape_cast %get3A_76 : vector<1x16xf32> to vector<16xf32>
    %add3A_78 = arith.constant 0 : i32
    %add3A_79 = vector.broadcast %add3A_78 : i32 to vector<16xi32>
    %add3A_80 = arith.addi %iota3A, %add3A_79 : vector<16xi32>
    %add3A_81 = arith.constant 16 : i32
    %add3A_82 = vector.broadcast %add3A_81 : i32 to vector<16xi32>
    %add3A_83 = arith.addi %iota3A, %add3A_82 : vector<16xi32>
    %add3A_84 = arith.constant 32 : i32
    %add3A_85 = vector.broadcast %add3A_84 : i32 to vector<16xi32>
    %add3A_86 = arith.addi %iota3A, %add3A_85 : vector<16xi32>
    %add3A_87 = arith.constant 48 : i32
    %add3A_88 = vector.broadcast %add3A_87 : i32 to vector<16xi32>
    %add3A_89 = arith.addi %iota3A, %add3A_88 : vector<16xi32>
    %add3A_90 = arith.constant 64 : i32
    %add3A_91 = vector.broadcast %add3A_90 : i32 to vector<16xi32>
    %add3A_92 = arith.addi %iota3A, %add3A_91 : vector<16xi32>
    %add3A_93 = arith.constant 80 : i32
    %add3A_94 = vector.broadcast %add3A_93 : i32 to vector<16xi32>
    %add3A_95 = arith.addi %iota3A, %add3A_94 : vector<16xi32>
    %add3A_96 = arith.constant 96 : i32
    %add3A_97 = vector.broadcast %add3A_96 : i32 to vector<16xi32>
    %add3A_98 = arith.addi %iota3A, %add3A_97 : vector<16xi32>
    %add3A_99 = arith.constant 112 : i32
    %add3A_100 = vector.broadcast %add3A_99 : i32 to vector<16xi32>
    %add3A_101 = arith.addi %iota3A, %add3A_100 : vector<16xi32>
    %add3A_102 = arith.constant 128 : i32
    %add3A_103 = vector.broadcast %add3A_102 : i32 to vector<16xi32>
    %add3A_104 = arith.addi %iota3A, %add3A_103 : vector<16xi32>
    %add3A_105 = arith.constant 144 : i32
    %add3A_106 = vector.broadcast %add3A_105 : i32 to vector<16xi32>
    %add3A_107 = arith.addi %iota3A, %add3A_106 : vector<16xi32>
    %add3A_108 = arith.constant 160 : i32
    %add3A_109 = vector.broadcast %add3A_108 : i32 to vector<16xi32>
    %add3A_110 = arith.addi %iota3A, %add3A_109 : vector<16xi32>
    %add3A_111 = arith.constant 176 : i32
    %add3A_112 = vector.broadcast %add3A_111 : i32 to vector<16xi32>
    %add3A_113 = arith.addi %iota3A, %add3A_112 : vector<16xi32>
    %add3A_114 = arith.constant 192 : i32
    %add3A_115 = vector.broadcast %add3A_114 : i32 to vector<16xi32>
    %add3A_116 = arith.addi %iota3A, %add3A_115 : vector<16xi32>
    %broadcast_in_dim3A = arith.constant 0 : i32
    %broadcast_in_dim3A_117 = vector.broadcast %broadcast_in_dim3A : i32 to vector<16xi32>
    %scan3A = arith.constant 0 : i32
    %scan3A_118 = arith.constant 12 : i32
    %scan3A_119 = arith.addi %scan3A, %scan3A_118 : i32
    %scan3A_120 = arith.constant 1 : i32
    %scan3A_121:14 = scf.for %scan3A_482 = %scan3A to %scan3A_119 step %scan3A_120 iter_args(%scan3A_483 = %get3A_17, %scan3A_484 = %get3A_22, %scan3A_485 = %get3A_27, %scan3A_486 = %get3A_32, %scan3A_487 = %get3A_37, %scan3A_488 = %get3A_42, %scan3A_489 = %get3A_47, %scan3A_490 = %get3A_52, %scan3A_491 = %get3A_57, %scan3A_492 = %get3A_62, %scan3A_493 = %get3A_67, %scan3A_494 = %get3A_72, %scan3A_495 = %get3A_77, %scan3A_496 = %broadcast_in_dim3A_117) -> (vector<16xf32>, vector<16xf32>, vector<16xf32>, vector<16xf32>, vector<16xf32>, vector<16xf32>, vector<16xf32>, vector<16xf32>, vector<16xf32>, vector<16xf32>, vector<16xf32>, vector<16xf32>, vector<16xf32>, vector<16xi32>)  : i32 {
      %ge3A = arith.cmpf oge, %scan3A_484, %scan3A_483 : vector<16xf32>
      %select_n3A = arith.select %ge3A, %scan3A_484, %scan3A_483 : vector<16xi1>, vector<16xf32>
      %select_n3A_497 = arith.select %ge3A, %add3A_83, %add3A_80 : vector<16xi1>, vector<16xi32>
      %ge3A_498 = arith.cmpf oge, %scan3A_485, %select_n3A : vector<16xf32>
      %select_n3A_499 = arith.select %ge3A_498, %scan3A_485, %select_n3A : vector<16xi1>, vector<16xf32>
      %select_n3A_500 = arith.select %ge3A_498, %add3A_86, %select_n3A_497 : vector<16xi1>, vector<16xi32>
      %ge3A_501 = arith.cmpf oge, %scan3A_486, %select_n3A_499 : vector<16xf32>
      %select_n3A_502 = arith.select %ge3A_501, %scan3A_486, %select_n3A_499 : vector<16xi1>, vector<16xf32>
      %select_n3A_503 = arith.select %ge3A_501, %add3A_89, %select_n3A_500 : vector<16xi1>, vector<16xi32>
      %ge3A_504 = arith.cmpf oge, %scan3A_487, %select_n3A_502 : vector<16xf32>
      %select_n3A_505 = arith.select %ge3A_504, %scan3A_487, %select_n3A_502 : vector<16xi1>, vector<16xf32>
      %select_n3A_506 = arith.select %ge3A_504, %add3A_92, %select_n3A_503 : vector<16xi1>, vector<16xi32>
      %ge3A_507 = arith.cmpf oge, %scan3A_488, %select_n3A_505 : vector<16xf32>
      %select_n3A_508 = arith.select %ge3A_507, %scan3A_488, %select_n3A_505 : vector<16xi1>, vector<16xf32>
      %select_n3A_509 = arith.select %ge3A_507, %add3A_95, %select_n3A_506 : vector<16xi1>, vector<16xi32>
      %ge3A_510 = arith.cmpf oge, %scan3A_489, %select_n3A_508 : vector<16xf32>
      %select_n3A_511 = arith.select %ge3A_510, %scan3A_489, %select_n3A_508 : vector<16xi1>, vector<16xf32>
      %select_n3A_512 = arith.select %ge3A_510, %add3A_98, %select_n3A_509 : vector<16xi1>, vector<16xi32>
      %ge3A_513 = arith.cmpf oge, %scan3A_490, %select_n3A_511 : vector<16xf32>
      %select_n3A_514 = arith.select %ge3A_513, %scan3A_490, %select_n3A_511 : vector<16xi1>, vector<16xf32>
      %select_n3A_515 = arith.select %ge3A_513, %add3A_101, %select_n3A_512 : vector<16xi1>, vector<16xi32>
      %ge3A_516 = arith.cmpf oge, %scan3A_491, %select_n3A_514 : vector<16xf32>
      %select_n3A_517 = arith.select %ge3A_516, %scan3A_491, %select_n3A_514 : vector<16xi1>, vector<16xf32>
      %select_n3A_518 = arith.select %ge3A_516, %add3A_104, %select_n3A_515 : vector<16xi1>, vector<16xi32>
      %ge3A_519 = arith.cmpf oge, %scan3A_492, %select_n3A_517 : vector<16xf32>
      %select_n3A_520 = arith.select %ge3A_519, %scan3A_492, %select_n3A_517 : vector<16xi1>, vector<16xf32>
      %select_n3A_521 = arith.select %ge3A_519, %add3A_107, %select_n3A_518 : vector<16xi1>, vector<16xi32>
      %ge3A_522 = arith.cmpf oge, %scan3A_493, %select_n3A_520 : vector<16xf32>
      %select_n3A_523 = arith.select %ge3A_522, %scan3A_493, %select_n3A_520 : vector<16xi1>, vector<16xf32>
      %select_n3A_524 = arith.select %ge3A_522, %add3A_110, %select_n3A_521 : vector<16xi1>, vector<16xi32>
      %ge3A_525 = arith.cmpf oge, %scan3A_494, %select_n3A_523 : vector<16xf32>
      %select_n3A_526 = arith.select %ge3A_525, %scan3A_494, %select_n3A_523 : vector<16xi1>, vector<16xf32>
      %select_n3A_527 = arith.select %ge3A_525, %add3A_113, %select_n3A_524 : vector<16xi1>, vector<16xi32>
      %ge3A_528 = arith.cmpf oge, %scan3A_495, %select_n3A_526 : vector<16xf32>
      %select_n3A_529 = arith.select %ge3A_528, %scan3A_495, %select_n3A_526 : vector<16xi1>, vector<16xf32>
      %select_n3A_530 = arith.select %ge3A_528, %add3A_116, %select_n3A_527 : vector<16xi1>, vector<16xi32>
      %broadcast_in_dim3A_531 = vector.shape_cast %xor3A_4 : vector<16xi32> to vector<16x1xi32>
      %gather3A = vector.shape_cast %broadcast_in_dim3A_531 : vector<16x1xi32> to vector<16xi32>
      %gather3A_532 = tpu.dynamic_gather %select_n3A_529[%gather3A] in [0] : vector<16xf32>, vector<16xi32> -> vector<16xf32>
      %max3A = arith.maximumf %select_n3A_529, %gather3A_532 : vector<16xf32>
      %broadcast_in_dim3A_533 = vector.shape_cast %xor3A_7 : vector<16xi32> to vector<16x1xi32>
      %gather3A_534 = vector.shape_cast %broadcast_in_dim3A_533 : vector<16x1xi32> to vector<16xi32>
      %gather3A_535 = tpu.dynamic_gather %max3A[%gather3A_534] in [0] : vector<16xf32>, vector<16xi32> -> vector<16xf32>
      %max3A_536 = arith.maximumf %max3A, %gather3A_535 : vector<16xf32>
      %broadcast_in_dim3A_537 = vector.shape_cast %xor3A_10 : vector<16xi32> to vector<16x1xi32>
      %gather3A_538 = vector.shape_cast %broadcast_in_dim3A_537 : vector<16x1xi32> to vector<16xi32>
      %gather3A_539 = tpu.dynamic_gather %max3A_536[%gather3A_538] in [0] : vector<16xf32>, vector<16xi32> -> vector<16xf32>
      %max3A_540 = arith.maximumf %max3A_536, %gather3A_539 : vector<16xf32>
      %broadcast_in_dim3A_541 = vector.shape_cast %xor3A_13 : vector<16xi32> to vector<16x1xi32>
      %gather3A_542 = vector.shape_cast %broadcast_in_dim3A_541 : vector<16x1xi32> to vector<16xi32>
      %gather3A_543 = tpu.dynamic_gather %max3A_540[%gather3A_542] in [0] : vector<16xf32>, vector<16xi32> -> vector<16xf32>
      %max3A_544 = arith.maximumf %max3A_540, %gather3A_543 : vector<16xf32>
      %eq3A = arith.cmpf oeq, %select_n3A_529, %max3A_544 : vector<16xf32>
      %jit3A = arith.constant -1 : i32
      %broadcast_in_dim3A_545 = vector.broadcast %jit3A : i32 to vector<16xi32>
      %select_n3A_546 = arith.select %eq3A, %select_n3A_530, %broadcast_in_dim3A_545 : vector<16xi1>, vector<16xi32>
      %broadcast_in_dim3A_547 = vector.shape_cast %xor3A_4 : vector<16xi32> to vector<16x1xi32>
      %gather3A_548 = vector.shape_cast %broadcast_in_dim3A_547 : vector<16x1xi32> to vector<16xi32>
      %gather3A_549 = tpu.dynamic_gather %select_n3A_546[%gather3A_548] in [0] : vector<16xi32>, vector<16xi32> -> vector<16xi32>
      %max3A_550 = arith.maxsi %select_n3A_546, %gather3A_549 : vector<16xi32>
      %broadcast_in_dim3A_551 = vector.shape_cast %xor3A_7 : vector<16xi32> to vector<16x1xi32>
      %gather3A_552 = vector.shape_cast %broadcast_in_dim3A_551 : vector<16x1xi32> to vector<16xi32>
      %gather3A_553 = tpu.dynamic_gather %max3A_550[%gather3A_552] in [0] : vector<16xi32>, vector<16xi32> -> vector<16xi32>
      %max3A_554 = arith.maxsi %max3A_550, %gather3A_553 : vector<16xi32>
      %broadcast_in_dim3A_555 = vector.shape_cast %xor3A_10 : vector<16xi32> to vector<16x1xi32>
      %gather3A_556 = vector.shape_cast %broadcast_in_dim3A_555 : vector<16x1xi32> to vector<16xi32>
      %gather3A_557 = tpu.dynamic_gather %max3A_554[%gather3A_556] in [0] : vector<16xi32>, vector<16xi32> -> vector<16xi32>
      %max3A_558 = arith.maxsi %max3A_554, %gather3A_557 : vector<16xi32>
      %broadcast_in_dim3A_559 = vector.shape_cast %xor3A_13 : vector<16xi32> to vector<16x1xi32>
      %gather3A_560 = vector.shape_cast %broadcast_in_dim3A_559 : vector<16x1xi32> to vector<16xi32>
      %gather3A_561 = tpu.dynamic_gather %max3A_558[%gather3A_560] in [0] : vector<16xi32>, vector<16xi32> -> vector<16xi32>
      %max3A_562 = arith.maxsi %max3A_558, %gather3A_561 : vector<16xi32>
      %eq3A_563 = vector.broadcast %scan3A_482 : i32 to vector<16xi32>
      %eq3A_564 = arith.cmpi eq, %iota3A, %eq3A_563 : vector<16xi32>
      %select_n3A_565 = arith.select %eq3A_564, %max3A_562, %scan3A_496 : vector<16xi1>, vector<16xi32>
      %eq3A_566 = arith.cmpi eq, %add3A_80, %max3A_562 : vector<16xi32>
      %jit3A_567 = arith.constant -3.000000e+38 : f32
      %broadcast_in_dim3A_568 = vector.broadcast %jit3A_567 : f32 to vector<16xf32>
      %select_n3A_569 = arith.select %eq3A_566, %broadcast_in_dim3A_568, %scan3A_483 : vector<16xi1>, vector<16xf32>
      %eq3A_570 = arith.cmpi eq, %add3A_83, %max3A_562 : vector<16xi32>
      %jit3A_571 = arith.constant -3.000000e+38 : f32
      %broadcast_in_dim3A_572 = vector.broadcast %jit3A_571 : f32 to vector<16xf32>
      %select_n3A_573 = arith.select %eq3A_570, %broadcast_in_dim3A_572, %scan3A_484 : vector<16xi1>, vector<16xf32>
      %eq3A_574 = arith.cmpi eq, %add3A_86, %max3A_562 : vector<16xi32>
      %jit3A_575 = arith.constant -3.000000e+38 : f32
      %broadcast_in_dim3A_576 = vector.broadcast %jit3A_575 : f32 to vector<16xf32>
      %select_n3A_577 = arith.select %eq3A_574, %broadcast_in_dim3A_576, %scan3A_485 : vector<16xi1>, vector<16xf32>
      %eq3A_578 = arith.cmpi eq, %add3A_89, %max3A_562 : vector<16xi32>
      %jit3A_579 = arith.constant -3.000000e+38 : f32
      %broadcast_in_dim3A_580 = vector.broadcast %jit3A_579 : f32 to vector<16xf32>
      %select_n3A_581 = arith.select %eq3A_578, %broadcast_in_dim3A_580, %scan3A_486 : vector<16xi1>, vector<16xf32>
      %eq3A_582 = arith.cmpi eq, %add3A_92, %max3A_562 : vector<16xi32>
      %jit3A_583 = arith.constant -3.000000e+38 : f32
      %broadcast_in_dim3A_584 = vector.broadcast %jit3A_583 : f32 to vector<16xf32>
      %select_n3A_585 = arith.select %eq3A_582, %broadcast_in_dim3A_584, %scan3A_487 : vector<16xi1>, vector<16xf32>
      %eq3A_586 = arith.cmpi eq, %add3A_95, %max3A_562 : vector<16xi32>
      %jit3A_587 = arith.constant -3.000000e+38 : f32
      %broadcast_in_dim3A_588 = vector.broadcast %jit3A_587 : f32 to vector<16xf32>
      %select_n3A_589 = arith.select %eq3A_586, %broadcast_in_dim3A_588, %scan3A_488 : vector<16xi1>, vector<16xf32>
      %eq3A_590 = arith.cmpi eq, %add3A_98, %max3A_562 : vector<16xi32>
      %jit3A_591 = arith.constant -3.000000e+38 : f32
      %broadcast_in_dim3A_592 = vector.broadcast %jit3A_591 : f32 to vector<16xf32>
      %select_n3A_593 = arith.select %eq3A_590, %broadcast_in_dim3A_592, %scan3A_489 : vector<16xi1>, vector<16xf32>
      %eq3A_594 = arith.cmpi eq, %add3A_101, %max3A_562 : vector<16xi32>
      %jit3A_595 = arith.constant -3.000000e+38 : f32
      %broadcast_in_dim3A_596 = vector.broadcast %jit3A_595 : f32 to vector<16xf32>
      %select_n3A_597 = arith.select %eq3A_594, %broadcast_in_dim3A_596, %scan3A_490 : vector<16xi1>, vector<16xf32>
      %eq3A_598 = arith.cmpi eq, %add3A_104, %max3A_562 : vector<16xi32>
      %jit3A_599 = arith.constant -3.000000e+38 : f32
      %broadcast_in_dim3A_600 = vector.broadcast %jit3A_599 : f32 to vector<16xf32>
      %select_n3A_601 = arith.select %eq3A_598, %broadcast_in_dim3A_600, %scan3A_491 : vector<16xi1>, vector<16xf32>
      %eq3A_602 = arith.cmpi eq, %add3A_107, %max3A_562 : vector<16xi32>
      %jit3A_603 = arith.constant -3.000000e+38 : f32
      %broadcast_in_dim3A_604 = vector.broadcast %jit3A_603 : f32 to vector<16xf32>
      %select_n3A_605 = arith.select %eq3A_602, %broadcast_in_dim3A_604, %scan3A_492 : vector<16xi1>, vector<16xf32>
      %eq3A_606 = arith.cmpi eq, %add3A_110, %max3A_562 : vector<16xi32>
      %jit3A_607 = arith.constant -3.000000e+38 : f32
      %broadcast_in_dim3A_608 = vector.broadcast %jit3A_607 : f32 to vector<16xf32>
      %select_n3A_609 = arith.select %eq3A_606, %broadcast_in_dim3A_608, %scan3A_493 : vector<16xi1>, vector<16xf32>
      %eq3A_610 = arith.cmpi eq, %add3A_113, %max3A_562 : vector<16xi32>
      %jit3A_611 = arith.constant -3.000000e+38 : f32
      %broadcast_in_dim3A_612 = vector.broadcast %jit3A_611 : f32 to vector<16xf32>
      %select_n3A_613 = arith.select %eq3A_610, %broadcast_in_dim3A_612, %scan3A_494 : vector<16xi1>, vector<16xf32>
      %eq3A_614 = arith.cmpi eq, %add3A_116, %max3A_562 : vector<16xi32>
      %jit3A_615 = arith.constant -3.000000e+38 : f32
      %broadcast_in_dim3A_616 = vector.broadcast %jit3A_615 : f32 to vector<16xf32>
      %select_n3A_617 = arith.select %eq3A_614, %broadcast_in_dim3A_616, %scan3A_495 : vector<16xi1>, vector<16xf32>
      scf.yield %select_n3A_569, %select_n3A_573, %select_n3A_577, %select_n3A_581, %select_n3A_585, %select_n3A_589, %select_n3A_593, %select_n3A_597, %select_n3A_601, %select_n3A_605, %select_n3A_609, %select_n3A_613, %select_n3A_617, %select_n3A_565 : vector<16xf32>, vector<16xf32>, vector<16xf32>, vector<16xf32>, vector<16xf32>, vector<16xf32>, vector<16xf32>, vector<16xf32>, vector<16xf32>, vector<16xf32>, vector<16xf32>, vector<16xf32>, vector<16xf32>, vector<16xi32>
    }
    %scan3A_122 = arith.constant 12 : i32
    %swap3A = arith.constant 0 : i32
    %swap3A_123 = arith.index_cast %swap3A : i32 to index
    %swap3A_124 = arith.constant 0 : index
    %swap3A_125 = tpu.vector_load %arg5[%swap3A_123, %swap3A_124] {strides = array<i32>} : memref<4x16xi32, #tpu.memory_space<vmem>>, vector<1x16xi32>,
    %swap3A_126 = vector.shape_cast %swap3A_125 : vector<1x16xi32> to vector<16xi32>
    %swap3A_127 = vector.shape_cast %scan3A_121#13 : vector<16xi32> to vector<1x16xi32>
    tpu.vector_store %arg5[%swap3A_123, %swap3A_124], %swap3A_127 {strides = array<i32>} : memref<4x16xi32, #tpu.memory_space<vmem>>, vector<1x16xi32>,
    %get3A_128 = arith.constant 1 : i32
    %get3A_129 = arith.index_cast %get3A_128 : i32 to index
    %get3A_130 = arith.constant 0 : index
    %get3A_131 = tpu.vector_load %arg4[%get3A_129, %get3A_130] {strides = array<i32>} : memref<4x208xf32, #tpu.memory_space<vmem>>, vector<1x16xf32>,
    %get3A_132 = vector.shape_cast %get3A_131 : vector<1x16xf32> to vector<16xf32>
    %get3A_133 = arith.constant 1 : i32
    %get3A_134 = arith.index_cast %get3A_133 : i32 to index
    %get3A_135 = arith.constant 16 : index
    %get3A_136 = tpu.vector_load %arg4[%get3A_134, %get3A_135] {strides = array<i32>} : memref<4x208xf32, #tpu.memory_space<vmem>>, vector<1x16xf32>,
    %get3A_137 = vector.shape_cast %get3A_136 : vector<1x16xf32> to vector<16xf32>
    %get3A_138 = arith.constant 1 : i32
    %get3A_139 = arith.index_cast %get3A_138 : i32 to index
    %get3A_140 = arith.constant 32 : index
    %get3A_141 = tpu.vector_load %arg4[%get3A_139, %get3A_140] {strides = array<i32>} : memref<4x208xf32, #tpu.memory_space<vmem>>, vector<1x16xf32>,
    %get3A_142 = vector.shape_cast %get3A_141 : vector<1x16xf32> to vector<16xf32>
    %get3A_143 = arith.constant 1 : i32
    %get3A_144 = arith.index_cast %get3A_143 : i32 to index
    %get3A_145 = arith.constant 48 : index
    %get3A_146 = tpu.vector_load %arg4[%get3A_144, %get3A_145] {strides = array<i32>} : memref<4x208xf32, #tpu.memory_space<vmem>>, vector<1x16xf32>,
    %get3A_147 = vector.shape_cast %get3A_146 : vector<1x16xf32> to vector<16xf32>
    %get3A_148 = arith.constant 1 : i32
    %get3A_149 = arith.index_cast %get3A_148 : i32 to index
    %get3A_150 = arith.constant 64 : index
    %get3A_151 = tpu.vector_load %arg4[%get3A_149, %get3A_150] {strides = array<i32>} : memref<4x208xf32, #tpu.memory_space<vmem>>, vector<1x16xf32>,
    %get3A_152 = vector.shape_cast %get3A_151 : vector<1x16xf32> to vector<16xf32>
    %get3A_153 = arith.constant 1 : i32
    %get3A_154 = arith.index_cast %get3A_153 : i32 to index
    %get3A_155 = arith.constant 80 : index
    %get3A_156 = tpu.vector_load %arg4[%get3A_154, %get3A_155] {strides = array<i32>} : memref<4x208xf32, #tpu.memory_space<vmem>>, vector<1x16xf32>,
    %get3A_157 = vector.shape_cast %get3A_156 : vector<1x16xf32> to vector<16xf32>
    %get3A_158 = arith.constant 1 : i32
    %get3A_159 = arith.index_cast %get3A_158 : i32 to index
    %get3A_160 = arith.constant 96 : index
    %get3A_161 = tpu.vector_load %arg4[%get3A_159, %get3A_160] {strides = array<i32>} : memref<4x208xf32, #tpu.memory_space<vmem>>, vector<1x16xf32>,
    %get3A_162 = vector.shape_cast %get3A_161 : vector<1x16xf32> to vector<16xf32>
    %get3A_163 = arith.constant 1 : i32
    %get3A_164 = arith.index_cast %get3A_163 : i32 to index
    %get3A_165 = arith.constant 112 : index
    %get3A_166 = tpu.vector_load %arg4[%get3A_164, %get3A_165] {strides = array<i32>} : memref<4x208xf32, #tpu.memory_space<vmem>>, vector<1x16xf32>,
    %get3A_167 = vector.shape_cast %get3A_166 : vector<1x16xf32> to vector<16xf32>
    %get3A_168 = arith.constant 1 : i32
    %get3A_169 = arith.index_cast %get3A_168 : i32 to index
    %get3A_170 = arith.constant 128 : index
    %get3A_171 = tpu.vector_load %arg4[%get3A_169, %get3A_170] {strides = array<i32>} : memref<4x208xf32, #tpu.memory_space<vmem>>, vector<1x16xf32>,
    %get3A_172 = vector.shape_cast %get3A_171 : vector<1x16xf32> to vector<16xf32>
    %get3A_173 = arith.constant 1 : i32
    %get3A_174 = arith.index_cast %get3A_173 : i32 to index
    %get3A_175 = arith.constant 144 : index
    %get3A_176 = tpu.vector_load %arg4[%get3A_174, %get3A_175] {strides = array<i32>} : memref<4x208xf32, #tpu.memory_space<vmem>>, vector<1x16xf32>,
    %get3A_177 = vector.shape_cast %get3A_176 : vector<1x16xf32> to vector<16xf32>
    %get3A_178 = arith.constant 1 : i32
    %get3A_179 = arith.index_cast %get3A_178 : i32 to index
    %get3A_180 = arith.constant 160 : index
    %get3A_181 = tpu.vector_load %arg4[%get3A_179, %get3A_180] {strides = array<i32>} : memref<4x208xf32, #tpu.memory_space<vmem>>, vector<1x16xf32>,
    %get3A_182 = vector.shape_cast %get3A_181 : vector<1x16xf32> to vector<16xf32>
    %get3A_183 = arith.constant 1 : i32
    %get3A_184 = arith.index_cast %get3A_183 : i32 to index
    %get3A_185 = arith.constant 176 : index
    %get3A_186 = tpu.vector_load %arg4[%get3A_184, %get3A_185] {strides = array<i32>} : memref<4x208xf32, #tpu.memory_space<vmem>>, vector<1x16xf32>,
    %get3A_187 = vector.shape_cast %get3A_186 : vector<1x16xf32> to vector<16xf32>
    %get3A_188 = arith.constant 1 : i32
    %get3A_189 = arith.index_cast %get3A_188 : i32 to index
    %get3A_190 = arith.constant 192 : index
    %get3A_191 = tpu.vector_load %arg4[%get3A_189, %get3A_190] {strides = array<i32>} : memref<4x208xf32, #tpu.memory_space<vmem>>, vector<1x16xf32>,
    %get3A_192 = vector.shape_cast %get3A_191 : vector<1x16xf32> to vector<16xf32>
    %add3A_193 = arith.constant 0 : i32
    %add3A_194 = vector.broadcast %add3A_193 : i32 to vector<16xi32>
    %add3A_195 = arith.addi %iota3A, %add3A_194 : vector<16xi32>
    %add3A_196 = arith.constant 16 : i32
    %add3A_197 = vector.broadcast %add3A_196 : i32 to vector<16xi32>
    %add3A_198 = arith.addi %iota3A, %add3A_197 : vector<16xi32>
    %add3A_199 = arith.constant 32 : i32
    %add3A_200 = vector.broadcast %add3A_199 : i32 to vector<16xi32>
    %add3A_201 = arith.addi %iota3A, %add3A_200 : vector<16xi32>
    %add3A_202 = arith.constant 48 : i32
    %add3A_203 = vector.broadcast %add3A_202 : i32 to vector<16xi32>
    %add3A_204 = arith.addi %iota3A, %add3A_203 : vector<16xi32>
    %add3A_205 = arith.constant 64 : i32
    %add3A_206 = vector.broadcast %add3A_205 : i32 to vector<16xi32>
    %add3A_207 = arith.addi %iota3A, %add3A_206 : vector<16xi32>
    %add3A_208 = arith.constant 80 : i32
    %add3A_209 = vector.broadcast %add3A_208 : i32 to vector<16xi32>
    %add3A_210 = arith.addi %iota3A, %add3A_209 : vector<16xi32>
    %add3A_211 = arith.constant 96 : i32
    %add3A_212 = vector.broadcast %add3A_211 : i32 to vector<16xi32>
    %add3A_213 = arith.addi %iota3A, %add3A_212 : vector<16xi32>
    %add3A_214 = arith.constant 112 : i32
    %add3A_215 = vector.broadcast %add3A_214 : i32 to vector<16xi32>
    %add3A_216 = arith.addi %iota3A, %add3A_215 : vector<16xi32>
    %add3A_217 = arith.constant 128 : i32
    %add3A_218 = vector.broadcast %add3A_217 : i32 to vector<16xi32>
    %add3A_219 = arith.addi %iota3A, %add3A_218 : vector<16xi32>
    %add3A_220 = arith.constant 144 : i32
    %add3A_221 = vector.broadcast %add3A_220 : i32 to vector<16xi32>
    %add3A_222 = arith.addi %iota3A, %add3A_221 : vector<16xi32>
    %add3A_223 = arith.constant 160 : i32
    %add3A_224 = vector.broadcast %add3A_223 : i32 to vector<16xi32>
    %add3A_225 = arith.addi %iota3A, %add3A_224 : vector<16xi32>
    %add3A_226 = arith.constant 176 : i32
    %add3A_227 = vector.broadcast %add3A_226 : i32 to vector<16xi32>
    %add3A_228 = arith.addi %iota3A, %add3A_227 : vector<16xi32>
    %add3A_229 = arith.constant 192 : i32
    %add3A_230 = vector.broadcast %add3A_229 : i32 to vector<16xi32>
    %add3A_231 = arith.addi %iota3A, %add3A_230 : vector<16xi32>
    %broadcast_in_dim3A_232 = arith.constant 0 : i32
    %broadcast_in_dim3A_233 = vector.broadcast %broadcast_in_dim3A_232 : i32 to vector<16xi32>
    %scan3A_234 = arith.constant 0 : i32
    %scan3A_235 = arith.constant 12 : i32
    %scan3A_236 = arith.addi %scan3A_234, %scan3A_235 : i32
    %scan3A_237 = arith.constant 1 : i32
    %scan3A_238:14 = scf.for %scan3A_482 = %scan3A_234 to %scan3A_236 step %scan3A_237 iter_args(%scan3A_483 = %get3A_132, %scan3A_484 = %get3A_137, %scan3A_485 = %get3A_142, %scan3A_486 = %get3A_147, %scan3A_487 = %get3A_152, %scan3A_488 = %get3A_157, %scan3A_489 = %get3A_162, %scan3A_490 = %get3A_167, %scan3A_491 = %get3A_172, %scan3A_492 = %get3A_177, %scan3A_493 = %get3A_182, %scan3A_494 = %get3A_187, %scan3A_495 = %get3A_192, %scan3A_496 = %broadcast_in_dim3A_233) -> (vector<16xf32>, vector<16xf32>, vector<16xf32>, vector<16xf32>, vector<16xf32>, vector<16xf32>, vector<16xf32>, vector<16xf32>, vector<16xf32>, vector<16xf32>, vector<16xf32>, vector<16xf32>, vector<16xf32>, vector<16xi32>)  : i32 {
      %ge3A = arith.cmpf oge, %scan3A_484, %scan3A_483 : vector<16xf32>
      %select_n3A = arith.select %ge3A, %scan3A_484, %scan3A_483 : vector<16xi1>, vector<16xf32>
      %select_n3A_497 = arith.select %ge3A, %add3A_198, %add3A_195 : vector<16xi1>, vector<16xi32>
      %ge3A_498 = arith.cmpf oge, %scan3A_485, %select_n3A : vector<16xf32>
      %select_n3A_499 = arith.select %ge3A_498, %scan3A_485, %select_n3A : vector<16xi1>, vector<16xf32>
      %select_n3A_500 = arith.select %ge3A_498, %add3A_201, %select_n3A_497 : vector<16xi1>, vector<16xi32>
      %ge3A_501 = arith.cmpf oge, %scan3A_486, %select_n3A_499 : vector<16xf32>
      %select_n3A_502 = arith.select %ge3A_501, %scan3A_486, %select_n3A_499 : vector<16xi1>, vector<16xf32>
      %select_n3A_503 = arith.select %ge3A_501, %add3A_204, %select_n3A_500 : vector<16xi1>, vector<16xi32>
      %ge3A_504 = arith.cmpf oge, %scan3A_487, %select_n3A_502 : vector<16xf32>
      %select_n3A_505 = arith.select %ge3A_504, %scan3A_487, %select_n3A_502 : vector<16xi1>, vector<16xf32>
      %select_n3A_506 = arith.select %ge3A_504, %add3A_207, %select_n3A_503 : vector<16xi1>, vector<16xi32>
      %ge3A_507 = arith.cmpf oge, %scan3A_488, %select_n3A_505 : vector<16xf32>
      %select_n3A_508 = arith.select %ge3A_507, %scan3A_488, %select_n3A_505 : vector<16xi1>, vector<16xf32>
      %select_n3A_509 = arith.select %ge3A_507, %add3A_210, %select_n3A_506 : vector<16xi1>, vector<16xi32>
      %ge3A_510 = arith.cmpf oge, %scan3A_489, %select_n3A_508 : vector<16xf32>
      %select_n3A_511 = arith.select %ge3A_510, %scan3A_489, %select_n3A_508 : vector<16xi1>, vector<16xf32>
      %select_n3A_512 = arith.select %ge3A_510, %add3A_213, %select_n3A_509 : vector<16xi1>, vector<16xi32>
      %ge3A_513 = arith.cmpf oge, %scan3A_490, %select_n3A_511 : vector<16xf32>
      %select_n3A_514 = arith.select %ge3A_513, %scan3A_490, %select_n3A_511 : vector<16xi1>, vector<16xf32>
      %select_n3A_515 = arith.select %ge3A_513, %add3A_216, %select_n3A_512 : vector<16xi1>, vector<16xi32>
      %ge3A_516 = arith.cmpf oge, %scan3A_491, %select_n3A_514 : vector<16xf32>
      %select_n3A_517 = arith.select %ge3A_516, %scan3A_491, %select_n3A_514 : vector<16xi1>, vector<16xf32>
      %select_n3A_518 = arith.select %ge3A_516, %add3A_219, %select_n3A_515 : vector<16xi1>, vector<16xi32>
      %ge3A_519 = arith.cmpf oge, %scan3A_492, %select_n3A_517 : vector<16xf32>
      %select_n3A_520 = arith.select %ge3A_519, %scan3A_492, %select_n3A_517 : vector<16xi1>, vector<16xf32>
      %select_n3A_521 = arith.select %ge3A_519, %add3A_222, %select_n3A_518 : vector<16xi1>, vector<16xi32>
      %ge3A_522 = arith.cmpf oge, %scan3A_493, %select_n3A_520 : vector<16xf32>
      %select_n3A_523 = arith.select %ge3A_522, %scan3A_493, %select_n3A_520 : vector<16xi1>, vector<16xf32>
      %select_n3A_524 = arith.select %ge3A_522, %add3A_225, %select_n3A_521 : vector<16xi1>, vector<16xi32>
      %ge3A_525 = arith.cmpf oge, %scan3A_494, %select_n3A_523 : vector<16xf32>
      %select_n3A_526 = arith.select %ge3A_525, %scan3A_494, %select_n3A_523 : vector<16xi1>, vector<16xf32>
      %select_n3A_527 = arith.select %ge3A_525, %add3A_228, %select_n3A_524 : vector<16xi1>, vector<16xi32>
      %ge3A_528 = arith.cmpf oge, %scan3A_495, %select_n3A_526 : vector<16xf32>
      %select_n3A_529 = arith.select %ge3A_528, %scan3A_495, %select_n3A_526 : vector<16xi1>, vector<16xf32>
      %select_n3A_530 = arith.select %ge3A_528, %add3A_231, %select_n3A_527 : vector<16xi1>, vector<16xi32>
      %broadcast_in_dim3A_531 = vector.shape_cast %xor3A_4 : vector<16xi32> to vector<16x1xi32>
      %gather3A = vector.shape_cast %broadcast_in_dim3A_531 : vector<16x1xi32> to vector<16xi32>
      %gather3A_532 = tpu.dynamic_gather %select_n3A_529[%gather3A] in [0] : vector<16xf32>, vector<16xi32> -> vector<16xf32>
      %max3A = arith.maximumf %select_n3A_529, %gather3A_532 : vector<16xf32>
      %broadcast_in_dim3A_533 = vector.shape_cast %xor3A_7 : vector<16xi32> to vector<16x1xi32>
      %gather3A_534 = vector.shape_cast %broadcast_in_dim3A_533 : vector<16x1xi32> to vector<16xi32>
      %gather3A_535 = tpu.dynamic_gather %max3A[%gather3A_534] in [0] : vector<16xf32>, vector<16xi32> -> vector<16xf32>
      %max3A_536 = arith.maximumf %max3A, %gather3A_535 : vector<16xf32>
      %broadcast_in_dim3A_537 = vector.shape_cast %xor3A_10 : vector<16xi32> to vector<16x1xi32>
      %gather3A_538 = vector.shape_cast %broadcast_in_dim3A_537 : vector<16x1xi32> to vector<16xi32>
      %gather3A_539 = tpu.dynamic_gather %max3A_536[%gather3A_538] in [0] : vector<16xf32>, vector<16xi32> -> vector<16xf32>
      %max3A_540 = arith.maximumf %max3A_536, %gather3A_539 : vector<16xf32>
      %broadcast_in_dim3A_541 = vector.shape_cast %xor3A_13 : vector<16xi32> to vector<16x1xi32>
      %gather3A_542 = vector.shape_cast %broadcast_in_dim3A_541 : vector<16x1xi32> to vector<16xi32>
      %gather3A_543 = tpu.dynamic_gather %max3A_540[%gather3A_542] in [0] : vector<16xf32>, vector<16xi32> -> vector<16xf32>
      %max3A_544 = arith.maximumf %max3A_540, %gather3A_543 : vector<16xf32>
      %eq3A = arith.cmpf oeq, %select_n3A_529, %max3A_544 : vector<16xf32>
      %jit3A = arith.constant -1 : i32
      %broadcast_in_dim3A_545 = vector.broadcast %jit3A : i32 to vector<16xi32>
      %select_n3A_546 = arith.select %eq3A, %select_n3A_530, %broadcast_in_dim3A_545 : vector<16xi1>, vector<16xi32>
      %broadcast_in_dim3A_547 = vector.shape_cast %xor3A_4 : vector<16xi32> to vector<16x1xi32>
      %gather3A_548 = vector.shape_cast %broadcast_in_dim3A_547 : vector<16x1xi32> to vector<16xi32>
      %gather3A_549 = tpu.dynamic_gather %select_n3A_546[%gather3A_548] in [0] : vector<16xi32>, vector<16xi32> -> vector<16xi32>
      %max3A_550 = arith.maxsi %select_n3A_546, %gather3A_549 : vector<16xi32>
      %broadcast_in_dim3A_551 = vector.shape_cast %xor3A_7 : vector<16xi32> to vector<16x1xi32>
      %gather3A_552 = vector.shape_cast %broadcast_in_dim3A_551 : vector<16x1xi32> to vector<16xi32>
      %gather3A_553 = tpu.dynamic_gather %max3A_550[%gather3A_552] in [0] : vector<16xi32>, vector<16xi32> -> vector<16xi32>
      %max3A_554 = arith.maxsi %max3A_550, %gather3A_553 : vector<16xi32>
      %broadcast_in_dim3A_555 = vector.shape_cast %xor3A_10 : vector<16xi32> to vector<16x1xi32>
      %gather3A_556 = vector.shape_cast %broadcast_in_dim3A_555 : vector<16x1xi32> to vector<16xi32>
      %gather3A_557 = tpu.dynamic_gather %max3A_554[%gather3A_556] in [0] : vector<16xi32>, vector<16xi32> -> vector<16xi32>
      %max3A_558 = arith.maxsi %max3A_554, %gather3A_557 : vector<16xi32>
      %broadcast_in_dim3A_559 = vector.shape_cast %xor3A_13 : vector<16xi32> to vector<16x1xi32>
      %gather3A_560 = vector.shape_cast %broadcast_in_dim3A_559 : vector<16x1xi32> to vector<16xi32>
      %gather3A_561 = tpu.dynamic_gather %max3A_558[%gather3A_560] in [0] : vector<16xi32>, vector<16xi32> -> vector<16xi32>
      %max3A_562 = arith.maxsi %max3A_558, %gather3A_561 : vector<16xi32>
      %eq3A_563 = vector.broadcast %scan3A_482 : i32 to vector<16xi32>
      %eq3A_564 = arith.cmpi eq, %iota3A, %eq3A_563 : vector<16xi32>
      %select_n3A_565 = arith.select %eq3A_564, %max3A_562, %scan3A_496 : vector<16xi1>, vector<16xi32>
      %eq3A_566 = arith.cmpi eq, %add3A_195, %max3A_562 : vector<16xi32>
      %jit3A_567 = arith.constant -3.000000e+38 : f32
      %broadcast_in_dim3A_568 = vector.broadcast %jit3A_567 : f32 to vector<16xf32>
      %select_n3A_569 = arith.select %eq3A_566, %broadcast_in_dim3A_568, %scan3A_483 : vector<16xi1>, vector<16xf32>
      %eq3A_570 = arith.cmpi eq, %add3A_198, %max3A_562 : vector<16xi32>
      %jit3A_571 = arith.constant -3.000000e+38 : f32
      %broadcast_in_dim3A_572 = vector.broadcast %jit3A_571 : f32 to vector<16xf32>
      %select_n3A_573 = arith.select %eq3A_570, %broadcast_in_dim3A_572, %scan3A_484 : vector<16xi1>, vector<16xf32>
      %eq3A_574 = arith.cmpi eq, %add3A_201, %max3A_562 : vector<16xi32>
      %jit3A_575 = arith.constant -3.000000e+38 : f32
      %broadcast_in_dim3A_576 = vector.broadcast %jit3A_575 : f32 to vector<16xf32>
      %select_n3A_577 = arith.select %eq3A_574, %broadcast_in_dim3A_576, %scan3A_485 : vector<16xi1>, vector<16xf32>
      %eq3A_578 = arith.cmpi eq, %add3A_204, %max3A_562 : vector<16xi32>
      %jit3A_579 = arith.constant -3.000000e+38 : f32
      %broadcast_in_dim3A_580 = vector.broadcast %jit3A_579 : f32 to vector<16xf32>
      %select_n3A_581 = arith.select %eq3A_578, %broadcast_in_dim3A_580, %scan3A_486 : vector<16xi1>, vector<16xf32>
      %eq3A_582 = arith.cmpi eq, %add3A_207, %max3A_562 : vector<16xi32>
      %jit3A_583 = arith.constant -3.000000e+38 : f32
      %broadcast_in_dim3A_584 = vector.broadcast %jit3A_583 : f32 to vector<16xf32>
      %select_n3A_585 = arith.select %eq3A_582, %broadcast_in_dim3A_584, %scan3A_487 : vector<16xi1>, vector<16xf32>
      %eq3A_586 = arith.cmpi eq, %add3A_210, %max3A_562 : vector<16xi32>
      %jit3A_587 = arith.constant -3.000000e+38 : f32
      %broadcast_in_dim3A_588 = vector.broadcast %jit3A_587 : f32 to vector<16xf32>
      %select_n3A_589 = arith.select %eq3A_586, %broadcast_in_dim3A_588, %scan3A_488 : vector<16xi1>, vector<16xf32>
      %eq3A_590 = arith.cmpi eq, %add3A_213, %max3A_562 : vector<16xi32>
      %jit3A_591 = arith.constant -3.000000e+38 : f32
      %broadcast_in_dim3A_592 = vector.broadcast %jit3A_591 : f32 to vector<16xf32>
      %select_n3A_593 = arith.select %eq3A_590, %broadcast_in_dim3A_592, %scan3A_489 : vector<16xi1>, vector<16xf32>
      %eq3A_594 = arith.cmpi eq, %add3A_216, %max3A_562 : vector<16xi32>
      %jit3A_595 = arith.constant -3.000000e+38 : f32
      %broadcast_in_dim3A_596 = vector.broadcast %jit3A_595 : f32 to vector<16xf32>
      %select_n3A_597 = arith.select %eq3A_594, %broadcast_in_dim3A_596, %scan3A_490 : vector<16xi1>, vector<16xf32>
      %eq3A_598 = arith.cmpi eq, %add3A_219, %max3A_562 : vector<16xi32>
      %jit3A_599 = arith.constant -3.000000e+38 : f32
      %broadcast_in_dim3A_600 = vector.broadcast %jit3A_599 : f32 to vector<16xf32>
      %select_n3A_601 = arith.select %eq3A_598, %broadcast_in_dim3A_600, %scan3A_491 : vector<16xi1>, vector<16xf32>
      %eq3A_602 = arith.cmpi eq, %add3A_222, %max3A_562 : vector<16xi32>
      %jit3A_603 = arith.constant -3.000000e+38 : f32
      %broadcast_in_dim3A_604 = vector.broadcast %jit3A_603 : f32 to vector<16xf32>
      %select_n3A_605 = arith.select %eq3A_602, %broadcast_in_dim3A_604, %scan3A_492 : vector<16xi1>, vector<16xf32>
      %eq3A_606 = arith.cmpi eq, %add3A_225, %max3A_562 : vector<16xi32>
      %jit3A_607 = arith.constant -3.000000e+38 : f32
      %broadcast_in_dim3A_608 = vector.broadcast %jit3A_607 : f32 to vector<16xf32>
      %select_n3A_609 = arith.select %eq3A_606, %broadcast_in_dim3A_608, %scan3A_493 : vector<16xi1>, vector<16xf32>
      %eq3A_610 = arith.cmpi eq, %add3A_228, %max3A_562 : vector<16xi32>
      %jit3A_611 = arith.constant -3.000000e+38 : f32
      %broadcast_in_dim3A_612 = vector.broadcast %jit3A_611 : f32 to vector<16xf32>
      %select_n3A_613 = arith.select %eq3A_610, %broadcast_in_dim3A_612, %scan3A_494 : vector<16xi1>, vector<16xf32>
      %eq3A_614 = arith.cmpi eq, %add3A_231, %max3A_562 : vector<16xi32>
      %jit3A_615 = arith.constant -3.000000e+38 : f32
      %broadcast_in_dim3A_616 = vector.broadcast %jit3A_615 : f32 to vector<16xf32>
      %select_n3A_617 = arith.select %eq3A_614, %broadcast_in_dim3A_616, %scan3A_495 : vector<16xi1>, vector<16xf32>
      scf.yield %select_n3A_569, %select_n3A_573, %select_n3A_577, %select_n3A_581, %select_n3A_585, %select_n3A_589, %select_n3A_593, %select_n3A_597, %select_n3A_601, %select_n3A_605, %select_n3A_609, %select_n3A_613, %select_n3A_617, %select_n3A_565 : vector<16xf32>, vector<16xf32>, vector<16xf32>, vector<16xf32>, vector<16xf32>, vector<16xf32>, vector<16xf32>, vector<16xf32>, vector<16xf32>, vector<16xf32>, vector<16xf32>, vector<16xf32>, vector<16xf32>, vector<16xi32>
    }
    %scan3A_239 = arith.constant 12 : i32
    %swap3A_240 = arith.constant 1 : i32
    %swap3A_241 = arith.index_cast %swap3A_240 : i32 to index
    %swap3A_242 = arith.constant 0 : index
    %swap3A_243 = tpu.vector_load %arg5[%swap3A_241, %swap3A_242] {strides = array<i32>} : memref<4x16xi32, #tpu.memory_space<vmem>>, vector<1x16xi32>,
    %swap3A_244 = vector.shape_cast %swap3A_243 : vector<1x16xi32> to vector<16xi32>
    %swap3A_245 = vector.shape_cast %scan3A_238#13 : vector<16xi32> to vector<1x16xi32>
    tpu.vector_store %arg5[%swap3A_241, %swap3A_242], %swap3A_245 {strides = array<i32>} : memref<4x16xi32, #tpu.memory_space<vmem>>, vector<1x16xi32>,
    %get3A_246 = arith.constant 2 : i32
    %get3A_247 = arith.index_cast %get3A_246 : i32 to index
    %get3A_248 = arith.constant 0 : index
    %get3A_249 = tpu.vector_load %arg4[%get3A_247, %get3A_248] {strides = array<i32>} : memref<4x208xf32, #tpu.memory_space<vmem>>, vector<1x16xf32>,
    %get3A_250 = vector.shape_cast %get3A_249 : vector<1x16xf32> to vector<16xf32>
    %get3A_251 = arith.constant 2 : i32
    %get3A_252 = arith.index_cast %get3A_251 : i32 to index
    %get3A_253 = arith.constant 16 : index
    %get3A_254 = tpu.vector_load %arg4[%get3A_252, %get3A_253] {strides = array<i32>} : memref<4x208xf32, #tpu.memory_space<vmem>>, vector<1x16xf32>,
    %get3A_255 = vector.shape_cast %get3A_254 : vector<1x16xf32> to vector<16xf32>
    %get3A_256 = arith.constant 2 : i32
    %get3A_257 = arith.index_cast %get3A_256 : i32 to index
    %get3A_258 = arith.constant 32 : index
    %get3A_259 = tpu.vector_load %arg4[%get3A_257, %get3A_258] {strides = array<i32>} : memref<4x208xf32, #tpu.memory_space<vmem>>, vector<1x16xf32>,
    %get3A_260 = vector.shape_cast %get3A_259 : vector<1x16xf32> to vector<16xf32>
    %get3A_261 = arith.constant 2 : i32
    %get3A_262 = arith.index_cast %get3A_261 : i32 to index
    %get3A_263 = arith.constant 48 : index
    %get3A_264 = tpu.vector_load %arg4[%get3A_262, %get3A_263] {strides = array<i32>} : memref<4x208xf32, #tpu.memory_space<vmem>>, vector<1x16xf32>,
    %get3A_265 = vector.shape_cast %get3A_264 : vector<1x16xf32> to vector<16xf32>
    %get3A_266 = arith.constant 2 : i32
    %get3A_267 = arith.index_cast %get3A_266 : i32 to index
    %get3A_268 = arith.constant 64 : index
    %get3A_269 = tpu.vector_load %arg4[%get3A_267, %get3A_268] {strides = array<i32>} : memref<4x208xf32, #tpu.memory_space<vmem>>, vector<1x16xf32>,
    %get3A_270 = vector.shape_cast %get3A_269 : vector<1x16xf32> to vector<16xf32>
    %get3A_271 = arith.constant 2 : i32
    %get3A_272 = arith.index_cast %get3A_271 : i32 to index
    %get3A_273 = arith.constant 80 : index
    %get3A_274 = tpu.vector_load %arg4[%get3A_272, %get3A_273] {strides = array<i32>} : memref<4x208xf32, #tpu.memory_space<vmem>>, vector<1x16xf32>,
    %get3A_275 = vector.shape_cast %get3A_274 : vector<1x16xf32> to vector<16xf32>
    %get3A_276 = arith.constant 2 : i32
    %get3A_277 = arith.index_cast %get3A_276 : i32 to index
    %get3A_278 = arith.constant 96 : index
    %get3A_279 = tpu.vector_load %arg4[%get3A_277, %get3A_278] {strides = array<i32>} : memref<4x208xf32, #tpu.memory_space<vmem>>, vector<1x16xf32>,
    %get3A_280 = vector.shape_cast %get3A_279 : vector<1x16xf32> to vector<16xf32>
    %get3A_281 = arith.constant 2 : i32
    %get3A_282 = arith.index_cast %get3A_281 : i32 to index
    %get3A_283 = arith.constant 112 : index
    %get3A_284 = tpu.vector_load %arg4[%get3A_282, %get3A_283] {strides = array<i32>} : memref<4x208xf32, #tpu.memory_space<vmem>>, vector<1x16xf32>,
    %get3A_285 = vector.shape_cast %get3A_284 : vector<1x16xf32> to vector<16xf32>
    %get3A_286 = arith.constant 2 : i32
    %get3A_287 = arith.index_cast %get3A_286 : i32 to index
    %get3A_288 = arith.constant 128 : index
    %get3A_289 = tpu.vector_load %arg4[%get3A_287, %get3A_288] {strides = array<i32>} : memref<4x208xf32, #tpu.memory_space<vmem>>, vector<1x16xf32>,
    %get3A_290 = vector.shape_cast %get3A_289 : vector<1x16xf32> to vector<16xf32>
    %get3A_291 = arith.constant 2 : i32
    %get3A_292 = arith.index_cast %get3A_291 : i32 to index
    %get3A_293 = arith.constant 144 : index
    %get3A_294 = tpu.vector_load %arg4[%get3A_292, %get3A_293] {strides = array<i32>} : memref<4x208xf32, #tpu.memory_space<vmem>>, vector<1x16xf32>,
    %get3A_295 = vector.shape_cast %get3A_294 : vector<1x16xf32> to vector<16xf32>
    %get3A_296 = arith.constant 2 : i32
    %get3A_297 = arith.index_cast %get3A_296 : i32 to index
    %get3A_298 = arith.constant 160 : index
    %get3A_299 = tpu.vector_load %arg4[%get3A_297, %get3A_298] {strides = array<i32>} : memref<4x208xf32, #tpu.memory_space<vmem>>, vector<1x16xf32>,
    %get3A_300 = vector.shape_cast %get3A_299 : vector<1x16xf32> to vector<16xf32>
    %get3A_301 = arith.constant 2 : i32
    %get3A_302 = arith.index_cast %get3A_301 : i32 to index
    %get3A_303 = arith.constant 176 : index
    %get3A_304 = tpu.vector_load %arg4[%get3A_302, %get3A_303] {strides = array<i32>} : memref<4x208xf32, #tpu.memory_space<vmem>>, vector<1x16xf32>,
    %get3A_305 = vector.shape_cast %get3A_304 : vector<1x16xf32> to vector<16xf32>
    %get3A_306 = arith.constant 2 : i32
    %get3A_307 = arith.index_cast %get3A_306 : i32 to index
    %get3A_308 = arith.constant 192 : index
    %get3A_309 = tpu.vector_load %arg4[%get3A_307, %get3A_308] {strides = array<i32>} : memref<4x208xf32, #tpu.memory_space<vmem>>, vector<1x16xf32>,
    %get3A_310 = vector.shape_cast %get3A_309 : vector<1x16xf32> to vector<16xf32>
    %add3A_311 = arith.constant 0 : i32
    %add3A_312 = vector.broadcast %add3A_311 : i32 to vector<16xi32>
    %add3A_313 = arith.addi %iota3A, %add3A_312 : vector<16xi32>
    %add3A_314 = arith.constant 16 : i32
    %add3A_315 = vector.broadcast %add3A_314 : i32 to vector<16xi32>
    %add3A_316 = arith.addi %iota3A, %add3A_315 : vector<16xi32>
    %add3A_317 = arith.constant 32 : i32
    %add3A_318 = vector.broadcast %add3A_317 : i32 to vector<16xi32>
    %add3A_319 = arith.addi %iota3A, %add3A_318 : vector<16xi32>
    %add3A_320 = arith.constant 48 : i32
    %add3A_321 = vector.broadcast %add3A_320 : i32 to vector<16xi32>
    %add3A_322 = arith.addi %iota3A, %add3A_321 : vector<16xi32>
    %add3A_323 = arith.constant 64 : i32
    %add3A_324 = vector.broadcast %add3A_323 : i32 to vector<16xi32>
    %add3A_325 = arith.addi %iota3A, %add3A_324 : vector<16xi32>
    %add3A_326 = arith.constant 80 : i32
    %add3A_327 = vector.broadcast %add3A_326 : i32 to vector<16xi32>
    %add3A_328 = arith.addi %iota3A, %add3A_327 : vector<16xi32>
    %add3A_329 = arith.constant 96 : i32
    %add3A_330 = vector.broadcast %add3A_329 : i32 to vector<16xi32>
    %add3A_331 = arith.addi %iota3A, %add3A_330 : vector<16xi32>
    %add3A_332 = arith.constant 112 : i32
    %add3A_333 = vector.broadcast %add3A_332 : i32 to vector<16xi32>
    %add3A_334 = arith.addi %iota3A, %add3A_333 : vector<16xi32>
    %add3A_335 = arith.constant 128 : i32
    %add3A_336 = vector.broadcast %add3A_335 : i32 to vector<16xi32>
    %add3A_337 = arith.addi %iota3A, %add3A_336 : vector<16xi32>
    %add3A_338 = arith.constant 144 : i32
    %add3A_339 = vector.broadcast %add3A_338 : i32 to vector<16xi32>
    %add3A_340 = arith.addi %iota3A, %add3A_339 : vector<16xi32>
    %add3A_341 = arith.constant 160 : i32
    %add3A_342 = vector.broadcast %add3A_341 : i32 to vector<16xi32>
    %add3A_343 = arith.addi %iota3A, %add3A_342 : vector<16xi32>
    %add3A_344 = arith.constant 176 : i32
    %add3A_345 = vector.broadcast %add3A_344 : i32 to vector<16xi32>
    %add3A_346 = arith.addi %iota3A, %add3A_345 : vector<16xi32>
    %add3A_347 = arith.constant 192 : i32
    %add3A_348 = vector.broadcast %add3A_347 : i32 to vector<16xi32>
    %add3A_349 = arith.addi %iota3A, %add3A_348 : vector<16xi32>
    %broadcast_in_dim3A_350 = arith.constant 0 : i32
    %broadcast_in_dim3A_351 = vector.broadcast %broadcast_in_dim3A_350 : i32 to vector<16xi32>
    %scan3A_352 = arith.constant 0 : i32
    %scan3A_353 = arith.constant 12 : i32
    %scan3A_354 = arith.addi %scan3A_352, %scan3A_353 : i32
    %scan3A_355 = arith.constant 1 : i32
    %scan3A_356:14 = scf.for %scan3A_482 = %scan3A_352 to %scan3A_354 step %scan3A_355 iter_args(%scan3A_483 = %get3A_250, %scan3A_484 = %get3A_255, %scan3A_485 = %get3A_260, %scan3A_486 = %get3A_265, %scan3A_487 = %get3A_270, %scan3A_488 = %get3A_275, %scan3A_489 = %get3A_280, %scan3A_490 = %get3A_285, %scan3A_491 = %get3A_290, %scan3A_492 = %get3A_295, %scan3A_493 = %get3A_300, %scan3A_494 = %get3A_305, %scan3A_495 = %get3A_310, %scan3A_496 = %broadcast_in_dim3A_351) -> (vector<16xf32>, vector<16xf32>, vector<16xf32>, vector<16xf32>, vector<16xf32>, vector<16xf32>, vector<16xf32>, vector<16xf32>, vector<16xf32>, vector<16xf32>, vector<16xf32>, vector<16xf32>, vector<16xf32>, vector<16xi32>)  : i32 {
      %ge3A = arith.cmpf oge, %scan3A_484, %scan3A_483 : vector<16xf32>
      %select_n3A = arith.select %ge3A, %scan3A_484, %scan3A_483 : vector<16xi1>, vector<16xf32>
      %select_n3A_497 = arith.select %ge3A, %add3A_316, %add3A_313 : vector<16xi1>, vector<16xi32>
      %ge3A_498 = arith.cmpf oge, %scan3A_485, %select_n3A : vector<16xf32>
      %select_n3A_499 = arith.select %ge3A_498, %scan3A_485, %select_n3A : vector<16xi1>, vector<16xf32>
      %select_n3A_500 = arith.select %ge3A_498, %add3A_319, %select_n3A_497 : vector<16xi1>, vector<16xi32>
      %ge3A_501 = arith.cmpf oge, %scan3A_486, %select_n3A_499 : vector<16xf32>
      %select_n3A_502 = arith.select %ge3A_501, %scan3A_486, %select_n3A_499 : vector<16xi1>, vector<16xf32>
      %select_n3A_503 = arith.select %ge3A_501, %add3A_322, %select_n3A_500 : vector<16xi1>, vector<16xi32>
      %ge3A_504 = arith.cmpf oge, %scan3A_487, %select_n3A_502 : vector<16xf32>
      %select_n3A_505 = arith.select %ge3A_504, %scan3A_487, %select_n3A_502 : vector<16xi1>, vector<16xf32>
      %select_n3A_506 = arith.select %ge3A_504, %add3A_325, %select_n3A_503 : vector<16xi1>, vector<16xi32>
      %ge3A_507 = arith.cmpf oge, %scan3A_488, %select_n3A_505 : vector<16xf32>
      %select_n3A_508 = arith.select %ge3A_507, %scan3A_488, %select_n3A_505 : vector<16xi1>, vector<16xf32>
      %select_n3A_509 = arith.select %ge3A_507, %add3A_328, %select_n3A_506 : vector<16xi1>, vector<16xi32>
      %ge3A_510 = arith.cmpf oge, %scan3A_489, %select_n3A_508 : vector<16xf32>
      %select_n3A_511 = arith.select %ge3A_510, %scan3A_489, %select_n3A_508 : vector<16xi1>, vector<16xf32>
      %select_n3A_512 = arith.select %ge3A_510, %add3A_331, %select_n3A_509 : vector<16xi1>, vector<16xi32>
      %ge3A_513 = arith.cmpf oge, %scan3A_490, %select_n3A_511 : vector<16xf32>
      %select_n3A_514 = arith.select %ge3A_513, %scan3A_490, %select_n3A_511 : vector<16xi1>, vector<16xf32>
      %select_n3A_515 = arith.select %ge3A_513, %add3A_334, %select_n3A_512 : vector<16xi1>, vector<16xi32>
      %ge3A_516 = arith.cmpf oge, %scan3A_491, %select_n3A_514 : vector<16xf32>
      %select_n3A_517 = arith.select %ge3A_516, %scan3A_491, %select_n3A_514 : vector<16xi1>, vector<16xf32>
      %select_n3A_518 = arith.select %ge3A_516, %add3A_337, %select_n3A_515 : vector<16xi1>, vector<16xi32>
      %ge3A_519 = arith.cmpf oge, %scan3A_492, %select_n3A_517 : vector<16xf32>
      %select_n3A_520 = arith.select %ge3A_519, %scan3A_492, %select_n3A_517 : vector<16xi1>, vector<16xf32>
      %select_n3A_521 = arith.select %ge3A_519, %add3A_340, %select_n3A_518 : vector<16xi1>, vector<16xi32>
      %ge3A_522 = arith.cmpf oge, %scan3A_493, %select_n3A_520 : vector<16xf32>
      %select_n3A_523 = arith.select %ge3A_522, %scan3A_493, %select_n3A_520 : vector<16xi1>, vector<16xf32>
      %select_n3A_524 = arith.select %ge3A_522, %add3A_343, %select_n3A_521 : vector<16xi1>, vector<16xi32>
      %ge3A_525 = arith.cmpf oge, %scan3A_494, %select_n3A_523 : vector<16xf32>
      %select_n3A_526 = arith.select %ge3A_525, %scan3A_494, %select_n3A_523 : vector<16xi1>, vector<16xf32>
      %select_n3A_527 = arith.select %ge3A_525, %add3A_346, %select_n3A_524 : vector<16xi1>, vector<16xi32>
      %ge3A_528 = arith.cmpf oge, %scan3A_495, %select_n3A_526 : vector<16xf32>
      %select_n3A_529 = arith.select %ge3A_528, %scan3A_495, %select_n3A_526 : vector<16xi1>, vector<16xf32>
      %select_n3A_530 = arith.select %ge3A_528, %add3A_349, %select_n3A_527 : vector<16xi1>, vector<16xi32>
      %broadcast_in_dim3A_531 = vector.shape_cast %xor3A_4 : vector<16xi32> to vector<16x1xi32>
      %gather3A = vector.shape_cast %broadcast_in_dim3A_531 : vector<16x1xi32> to vector<16xi32>
      %gather3A_532 = tpu.dynamic_gather %select_n3A_529[%gather3A] in [0] : vector<16xf32>, vector<16xi32> -> vector<16xf32>
      %max3A = arith.maximumf %select_n3A_529, %gather3A_532 : vector<16xf32>
      %broadcast_in_dim3A_533 = vector.shape_cast %xor3A_7 : vector<16xi32> to vector<16x1xi32>
      %gather3A_534 = vector.shape_cast %broadcast_in_dim3A_533 : vector<16x1xi32> to vector<16xi32>
      %gather3A_535 = tpu.dynamic_gather %max3A[%gather3A_534] in [0] : vector<16xf32>, vector<16xi32> -> vector<16xf32>
      %max3A_536 = arith.maximumf %max3A, %gather3A_535 : vector<16xf32>
      %broadcast_in_dim3A_537 = vector.shape_cast %xor3A_10 : vector<16xi32> to vector<16x1xi32>
      %gather3A_538 = vector.shape_cast %broadcast_in_dim3A_537 : vector<16x1xi32> to vector<16xi32>
      %gather3A_539 = tpu.dynamic_gather %max3A_536[%gather3A_538] in [0] : vector<16xf32>, vector<16xi32> -> vector<16xf32>
      %max3A_540 = arith.maximumf %max3A_536, %gather3A_539 : vector<16xf32>
      %broadcast_in_dim3A_541 = vector.shape_cast %xor3A_13 : vector<16xi32> to vector<16x1xi32>
      %gather3A_542 = vector.shape_cast %broadcast_in_dim3A_541 : vector<16x1xi32> to vector<16xi32>
      %gather3A_543 = tpu.dynamic_gather %max3A_540[%gather3A_542] in [0] : vector<16xf32>, vector<16xi32> -> vector<16xf32>
      %max3A_544 = arith.maximumf %max3A_540, %gather3A_543 : vector<16xf32>
      %eq3A = arith.cmpf oeq, %select_n3A_529, %max3A_544 : vector<16xf32>
      %jit3A = arith.constant -1 : i32
      %broadcast_in_dim3A_545 = vector.broadcast %jit3A : i32 to vector<16xi32>
      %select_n3A_546 = arith.select %eq3A, %select_n3A_530, %broadcast_in_dim3A_545 : vector<16xi1>, vector<16xi32>
      %broadcast_in_dim3A_547 = vector.shape_cast %xor3A_4 : vector<16xi32> to vector<16x1xi32>
      %gather3A_548 = vector.shape_cast %broadcast_in_dim3A_547 : vector<16x1xi32> to vector<16xi32>
      %gather3A_549 = tpu.dynamic_gather %select_n3A_546[%gather3A_548] in [0] : vector<16xi32>, vector<16xi32> -> vector<16xi32>
      %max3A_550 = arith.maxsi %select_n3A_546, %gather3A_549 : vector<16xi32>
      %broadcast_in_dim3A_551 = vector.shape_cast %xor3A_7 : vector<16xi32> to vector<16x1xi32>
      %gather3A_552 = vector.shape_cast %broadcast_in_dim3A_551 : vector<16x1xi32> to vector<16xi32>
      %gather3A_553 = tpu.dynamic_gather %max3A_550[%gather3A_552] in [0] : vector<16xi32>, vector<16xi32> -> vector<16xi32>
      %max3A_554 = arith.maxsi %max3A_550, %gather3A_553 : vector<16xi32>
      %broadcast_in_dim3A_555 = vector.shape_cast %xor3A_10 : vector<16xi32> to vector<16x1xi32>
      %gather3A_556 = vector.shape_cast %broadcast_in_dim3A_555 : vector<16x1xi32> to vector<16xi32>
      %gather3A_557 = tpu.dynamic_gather %max3A_554[%gather3A_556] in [0] : vector<16xi32>, vector<16xi32> -> vector<16xi32>
      %max3A_558 = arith.maxsi %max3A_554, %gather3A_557 : vector<16xi32>
      %broadcast_in_dim3A_559 = vector.shape_cast %xor3A_13 : vector<16xi32> to vector<16x1xi32>
      %gather3A_560 = vector.shape_cast %broadcast_in_dim3A_559 : vector<16x1xi32> to vector<16xi32>
      %gather3A_561 = tpu.dynamic_gather %max3A_558[%gather3A_560] in [0] : vector<16xi32>, vector<16xi32> -> vector<16xi32>
      %max3A_562 = arith.maxsi %max3A_558, %gather3A_561 : vector<16xi32>
      %eq3A_563 = vector.broadcast %scan3A_482 : i32 to vector<16xi32>
      %eq3A_564 = arith.cmpi eq, %iota3A, %eq3A_563 : vector<16xi32>
      %select_n3A_565 = arith.select %eq3A_564, %max3A_562, %scan3A_496 : vector<16xi1>, vector<16xi32>
      %eq3A_566 = arith.cmpi eq, %add3A_313, %max3A_562 : vector<16xi32>
      %jit3A_567 = arith.constant -3.000000e+38 : f32
      %broadcast_in_dim3A_568 = vector.broadcast %jit3A_567 : f32 to vector<16xf32>
      %select_n3A_569 = arith.select %eq3A_566, %broadcast_in_dim3A_568, %scan3A_483 : vector<16xi1>, vector<16xf32>
      %eq3A_570 = arith.cmpi eq, %add3A_316, %max3A_562 : vector<16xi32>
      %jit3A_571 = arith.constant -3.000000e+38 : f32
      %broadcast_in_dim3A_572 = vector.broadcast %jit3A_571 : f32 to vector<16xf32>
      %select_n3A_573 = arith.select %eq3A_570, %broadcast_in_dim3A_572, %scan3A_484 : vector<16xi1>, vector<16xf32>
      %eq3A_574 = arith.cmpi eq, %add3A_319, %max3A_562 : vector<16xi32>
      %jit3A_575 = arith.constant -3.000000e+38 : f32
      %broadcast_in_dim3A_576 = vector.broadcast %jit3A_575 : f32 to vector<16xf32>
      %select_n3A_577 = arith.select %eq3A_574, %broadcast_in_dim3A_576, %scan3A_485 : vector<16xi1>, vector<16xf32>
      %eq3A_578 = arith.cmpi eq, %add3A_322, %max3A_562 : vector<16xi32>
      %jit3A_579 = arith.constant -3.000000e+38 : f32
      %broadcast_in_dim3A_580 = vector.broadcast %jit3A_579 : f32 to vector<16xf32>
      %select_n3A_581 = arith.select %eq3A_578, %broadcast_in_dim3A_580, %scan3A_486 : vector<16xi1>, vector<16xf32>
      %eq3A_582 = arith.cmpi eq, %add3A_325, %max3A_562 : vector<16xi32>
      %jit3A_583 = arith.constant -3.000000e+38 : f32
      %broadcast_in_dim3A_584 = vector.broadcast %jit3A_583 : f32 to vector<16xf32>
      %select_n3A_585 = arith.select %eq3A_582, %broadcast_in_dim3A_584, %scan3A_487 : vector<16xi1>, vector<16xf32>
      %eq3A_586 = arith.cmpi eq, %add3A_328, %max3A_562 : vector<16xi32>
      %jit3A_587 = arith.constant -3.000000e+38 : f32
      %broadcast_in_dim3A_588 = vector.broadcast %jit3A_587 : f32 to vector<16xf32>
      %select_n3A_589 = arith.select %eq3A_586, %broadcast_in_dim3A_588, %scan3A_488 : vector<16xi1>, vector<16xf32>
      %eq3A_590 = arith.cmpi eq, %add3A_331, %max3A_562 : vector<16xi32>
      %jit3A_591 = arith.constant -3.000000e+38 : f32
      %broadcast_in_dim3A_592 = vector.broadcast %jit3A_591 : f32 to vector<16xf32>
      %select_n3A_593 = arith.select %eq3A_590, %broadcast_in_dim3A_592, %scan3A_489 : vector<16xi1>, vector<16xf32>
      %eq3A_594 = arith.cmpi eq, %add3A_334, %max3A_562 : vector<16xi32>
      %jit3A_595 = arith.constant -3.000000e+38 : f32
      %broadcast_in_dim3A_596 = vector.broadcast %jit3A_595 : f32 to vector<16xf32>
      %select_n3A_597 = arith.select %eq3A_594, %broadcast_in_dim3A_596, %scan3A_490 : vector<16xi1>, vector<16xf32>
      %eq3A_598 = arith.cmpi eq, %add3A_337, %max3A_562 : vector<16xi32>
      %jit3A_599 = arith.constant -3.000000e+38 : f32
      %broadcast_in_dim3A_600 = vector.broadcast %jit3A_599 : f32 to vector<16xf32>
      %select_n3A_601 = arith.select %eq3A_598, %broadcast_in_dim3A_600, %scan3A_491 : vector<16xi1>, vector<16xf32>
      %eq3A_602 = arith.cmpi eq, %add3A_340, %max3A_562 : vector<16xi32>
      %jit3A_603 = arith.constant -3.000000e+38 : f32
      %broadcast_in_dim3A_604 = vector.broadcast %jit3A_603 : f32 to vector<16xf32>
      %select_n3A_605 = arith.select %eq3A_602, %broadcast_in_dim3A_604, %scan3A_492 : vector<16xi1>, vector<16xf32>
      %eq3A_606 = arith.cmpi eq, %add3A_343, %max3A_562 : vector<16xi32>
      %jit3A_607 = arith.constant -3.000000e+38 : f32
      %broadcast_in_dim3A_608 = vector.broadcast %jit3A_607 : f32 to vector<16xf32>
      %select_n3A_609 = arith.select %eq3A_606, %broadcast_in_dim3A_608, %scan3A_493 : vector<16xi1>, vector<16xf32>
      %eq3A_610 = arith.cmpi eq, %add3A_346, %max3A_562 : vector<16xi32>
      %jit3A_611 = arith.constant -3.000000e+38 : f32
      %broadcast_in_dim3A_612 = vector.broadcast %jit3A_611 : f32 to vector<16xf32>
      %select_n3A_613 = arith.select %eq3A_610, %broadcast_in_dim3A_612, %scan3A_494 : vector<16xi1>, vector<16xf32>
      %eq3A_614 = arith.cmpi eq, %add3A_349, %max3A_562 : vector<16xi32>
      %jit3A_615 = arith.constant -3.000000e+38 : f32
      %broadcast_in_dim3A_616 = vector.broadcast %jit3A_615 : f32 to vector<16xf32>
      %select_n3A_617 = arith.select %eq3A_614, %broadcast_in_dim3A_616, %scan3A_495 : vector<16xi1>, vector<16xf32>
      scf.yield %select_n3A_569, %select_n3A_573, %select_n3A_577, %select_n3A_581, %select_n3A_585, %select_n3A_589, %select_n3A_593, %select_n3A_597, %select_n3A_601, %select_n3A_605, %select_n3A_609, %select_n3A_613, %select_n3A_617, %select_n3A_565 : vector<16xf32>, vector<16xf32>, vector<16xf32>, vector<16xf32>, vector<16xf32>, vector<16xf32>, vector<16xf32>, vector<16xf32>, vector<16xf32>, vector<16xf32>, vector<16xf32>, vector<16xf32>, vector<16xf32>, vector<16xi32>
    }
    %scan3A_357 = arith.constant 12 : i32
    %swap3A_358 = arith.constant 2 : i32
    %swap3A_359 = arith.index_cast %swap3A_358 : i32 to index
    %swap3A_360 = arith.constant 0 : index
    %swap3A_361 = tpu.vector_load %arg5[%swap3A_359, %swap3A_360] {strides = array<i32>} : memref<4x16xi32, #tpu.memory_space<vmem>>, vector<1x16xi32>,
    %swap3A_362 = vector.shape_cast %swap3A_361 : vector<1x16xi32> to vector<16xi32>
    %swap3A_363 = vector.shape_cast %scan3A_356#13 : vector<16xi32> to vector<1x16xi32>
    tpu.vector_store %arg5[%swap3A_359, %swap3A_360], %swap3A_363 {strides = array<i32>} : memref<4x16xi32, #tpu.memory_space<vmem>>, vector<1x16xi32>,
    %get3A_364 = arith.constant 3 : i32
    %get3A_365 = arith.index_cast %get3A_364 : i32 to index
    %get3A_366 = arith.constant 0 : index
    %get3A_367 = tpu.vector_load %arg4[%get3A_365, %get3A_366] {strides = array<i32>} : memref<4x208xf32, #tpu.memory_space<vmem>>, vector<1x16xf32>,
    %get3A_368 = vector.shape_cast %get3A_367 : vector<1x16xf32> to vector<16xf32>
    %get3A_369 = arith.constant 3 : i32
    %get3A_370 = arith.index_cast %get3A_369 : i32 to index
    %get3A_371 = arith.constant 16 : index
    %get3A_372 = tpu.vector_load %arg4[%get3A_370, %get3A_371] {strides = array<i32>} : memref<4x208xf32, #tpu.memory_space<vmem>>, vector<1x16xf32>,
    %get3A_373 = vector.shape_cast %get3A_372 : vector<1x16xf32> to vector<16xf32>
    %get3A_374 = arith.constant 3 : i32
    %get3A_375 = arith.index_cast %get3A_374 : i32 to index
    %get3A_376 = arith.constant 32 : index
    %get3A_377 = tpu.vector_load %arg4[%get3A_375, %get3A_376] {strides = array<i32>} : memref<4x208xf32, #tpu.memory_space<vmem>>, vector<1x16xf32>,
    %get3A_378 = vector.shape_cast %get3A_377 : vector<1x16xf32> to vector<16xf32>
    %get3A_379 = arith.constant 3 : i32
    %get3A_380 = arith.index_cast %get3A_379 : i32 to index
    %get3A_381 = arith.constant 48 : index
    %get3A_382 = tpu.vector_load %arg4[%get3A_380, %get3A_381] {strides = array<i32>} : memref<4x208xf32, #tpu.memory_space<vmem>>, vector<1x16xf32>,
    %get3A_383 = vector.shape_cast %get3A_382 : vector<1x16xf32> to vector<16xf32>
    %get3A_384 = arith.constant 3 : i32
    %get3A_385 = arith.index_cast %get3A_384 : i32 to index
    %get3A_386 = arith.constant 64 : index
    %get3A_387 = tpu.vector_load %arg4[%get3A_385, %get3A_386] {strides = array<i32>} : memref<4x208xf32, #tpu.memory_space<vmem>>, vector<1x16xf32>,
    %get3A_388 = vector.shape_cast %get3A_387 : vector<1x16xf32> to vector<16xf32>
    %get3A_389 = arith.constant 3 : i32
    %get3A_390 = arith.index_cast %get3A_389 : i32 to index
    %get3A_391 = arith.constant 80 : index
    %get3A_392 = tpu.vector_load %arg4[%get3A_390, %get3A_391] {strides = array<i32>} : memref<4x208xf32, #tpu.memory_space<vmem>>, vector<1x16xf32>,
    %get3A_393 = vector.shape_cast %get3A_392 : vector<1x16xf32> to vector<16xf32>
    %get3A_394 = arith.constant 3 : i32
    %get3A_395 = arith.index_cast %get3A_394 : i32 to index
    %get3A_396 = arith.constant 96 : index
    %get3A_397 = tpu.vector_load %arg4[%get3A_395, %get3A_396] {strides = array<i32>} : memref<4x208xf32, #tpu.memory_space<vmem>>, vector<1x16xf32>,
    %get3A_398 = vector.shape_cast %get3A_397 : vector<1x16xf32> to vector<16xf32>
    %get3A_399 = arith.constant 3 : i32
    %get3A_400 = arith.index_cast %get3A_399 : i32 to index
    %get3A_401 = arith.constant 112 : index
    %get3A_402 = tpu.vector_load %arg4[%get3A_400, %get3A_401] {strides = array<i32>} : memref<4x208xf32, #tpu.memory_space<vmem>>, vector<1x16xf32>,
    %get3A_403 = vector.shape_cast %get3A_402 : vector<1x16xf32> to vector<16xf32>
    %get3A_404 = arith.constant 3 : i32
    %get3A_405 = arith.index_cast %get3A_404 : i32 to index
    %get3A_406 = arith.constant 128 : index
    %get3A_407 = tpu.vector_load %arg4[%get3A_405, %get3A_406] {strides = array<i32>} : memref<4x208xf32, #tpu.memory_space<vmem>>, vector<1x16xf32>,
    %get3A_408 = vector.shape_cast %get3A_407 : vector<1x16xf32> to vector<16xf32>
    %get3A_409 = arith.constant 3 : i32
    %get3A_410 = arith.index_cast %get3A_409 : i32 to index
    %get3A_411 = arith.constant 144 : index
    %get3A_412 = tpu.vector_load %arg4[%get3A_410, %get3A_411] {strides = array<i32>} : memref<4x208xf32, #tpu.memory_space<vmem>>, vector<1x16xf32>,
    %get3A_413 = vector.shape_cast %get3A_412 : vector<1x16xf32> to vector<16xf32>
    %get3A_414 = arith.constant 3 : i32
    %get3A_415 = arith.index_cast %get3A_414 : i32 to index
    %get3A_416 = arith.constant 160 : index
    %get3A_417 = tpu.vector_load %arg4[%get3A_415, %get3A_416] {strides = array<i32>} : memref<4x208xf32, #tpu.memory_space<vmem>>, vector<1x16xf32>,
    %get3A_418 = vector.shape_cast %get3A_417 : vector<1x16xf32> to vector<16xf32>
    %get3A_419 = arith.constant 3 : i32
    %get3A_420 = arith.index_cast %get3A_419 : i32 to index
    %get3A_421 = arith.constant 176 : index
    %get3A_422 = tpu.vector_load %arg4[%get3A_420, %get3A_421] {strides = array<i32>} : memref<4x208xf32, #tpu.memory_space<vmem>>, vector<1x16xf32>,
    %get3A_423 = vector.shape_cast %get3A_422 : vector<1x16xf32> to vector<16xf32>
    %get3A_424 = arith.constant 3 : i32
    %get3A_425 = arith.index_cast %get3A_424 : i32 to index
    %get3A_426 = arith.constant 192 : index
    %get3A_427 = tpu.vector_load %arg4[%get3A_425, %get3A_426] {strides = array<i32>} : memref<4x208xf32, #tpu.memory_space<vmem>>, vector<1x16xf32>,
    %get3A_428 = vector.shape_cast %get3A_427 : vector<1x16xf32> to vector<16xf32>
    %add3A_429 = arith.constant 0 : i32
    %add3A_430 = vector.broadcast %add3A_429 : i32 to vector<16xi32>
    %add3A_431 = arith.addi %iota3A, %add3A_430 : vector<16xi32>
    %add3A_432 = arith.constant 16 : i32
    %add3A_433 = vector.broadcast %add3A_432 : i32 to vector<16xi32>
    %add3A_434 = arith.addi %iota3A, %add3A_433 : vector<16xi32>
    %add3A_435 = arith.constant 32 : i32
    %add3A_436 = vector.broadcast %add3A_435 : i32 to vector<16xi32>
    %add3A_437 = arith.addi %iota3A, %add3A_436 : vector<16xi32>
    %add3A_438 = arith.constant 48 : i32
    %add3A_439 = vector.broadcast %add3A_438 : i32 to vector<16xi32>
    %add3A_440 = arith.addi %iota3A, %add3A_439 : vector<16xi32>
    %add3A_441 = arith.constant 64 : i32
    %add3A_442 = vector.broadcast %add3A_441 : i32 to vector<16xi32>
    %add3A_443 = arith.addi %iota3A, %add3A_442 : vector<16xi32>
    %add3A_444 = arith.constant 80 : i32
    %add3A_445 = vector.broadcast %add3A_444 : i32 to vector<16xi32>
    %add3A_446 = arith.addi %iota3A, %add3A_445 : vector<16xi32>
    %add3A_447 = arith.constant 96 : i32
    %add3A_448 = vector.broadcast %add3A_447 : i32 to vector<16xi32>
    %add3A_449 = arith.addi %iota3A, %add3A_448 : vector<16xi32>
    %add3A_450 = arith.constant 112 : i32
    %add3A_451 = vector.broadcast %add3A_450 : i32 to vector<16xi32>
    %add3A_452 = arith.addi %iota3A, %add3A_451 : vector<16xi32>
    %add3A_453 = arith.constant 128 : i32
    %add3A_454 = vector.broadcast %add3A_453 : i32 to vector<16xi32>
    %add3A_455 = arith.addi %iota3A, %add3A_454 : vector<16xi32>
    %add3A_456 = arith.constant 144 : i32
    %add3A_457 = vector.broadcast %add3A_456 : i32 to vector<16xi32>
    %add3A_458 = arith.addi %iota3A, %add3A_457 : vector<16xi32>
    %add3A_459 = arith.constant 160 : i32
    %add3A_460 = vector.broadcast %add3A_459 : i32 to vector<16xi32>
    %add3A_461 = arith.addi %iota3A, %add3A_460 : vector<16xi32>
    %add3A_462 = arith.constant 176 : i32
    %add3A_463 = vector.broadcast %add3A_462 : i32 to vector<16xi32>
    %add3A_464 = arith.addi %iota3A, %add3A_463 : vector<16xi32>
    %add3A_465 = arith.constant 192 : i32
    %add3A_466 = vector.broadcast %add3A_465 : i32 to vector<16xi32>
    %add3A_467 = arith.addi %iota3A, %add3A_466 : vector<16xi32>
    %broadcast_in_dim3A_468 = arith.constant 0 : i32
    %broadcast_in_dim3A_469 = vector.broadcast %broadcast_in_dim3A_468 : i32 to vector<16xi32>
    %scan3A_470 = arith.constant 0 : i32
    %scan3A_471 = arith.constant 12 : i32
    %scan3A_472 = arith.addi %scan3A_470, %scan3A_471 : i32
    %scan3A_473 = arith.constant 1 : i32
    %scan3A_474:14 = scf.for %scan3A_482 = %scan3A_470 to %scan3A_472 step %scan3A_473 iter_args(%scan3A_483 = %get3A_368, %scan3A_484 = %get3A_373, %scan3A_485 = %get3A_378, %scan3A_486 = %get3A_383, %scan3A_487 = %get3A_388, %scan3A_488 = %get3A_393, %scan3A_489 = %get3A_398, %scan3A_490 = %get3A_403, %scan3A_491 = %get3A_408, %scan3A_492 = %get3A_413, %scan3A_493 = %get3A_418, %scan3A_494 = %get3A_423, %scan3A_495 = %get3A_428, %scan3A_496 = %broadcast_in_dim3A_469) -> (vector<16xf32>, vector<16xf32>, vector<16xf32>, vector<16xf32>, vector<16xf32>, vector<16xf32>, vector<16xf32>, vector<16xf32>, vector<16xf32>, vector<16xf32>, vector<16xf32>, vector<16xf32>, vector<16xf32>, vector<16xi32>)  : i32 {
      %ge3A = arith.cmpf oge, %scan3A_484, %scan3A_483 : vector<16xf32>
      %select_n3A = arith.select %ge3A, %scan3A_484, %scan3A_483 : vector<16xi1>, vector<16xf32>
      %select_n3A_497 = arith.select %ge3A, %add3A_434, %add3A_431 : vector<16xi1>, vector<16xi32>
      %ge3A_498 = arith.cmpf oge, %scan3A_485, %select_n3A : vector<16xf32>
      %select_n3A_499 = arith.select %ge3A_498, %scan3A_485, %select_n3A : vector<16xi1>, vector<16xf32>
      %select_n3A_500 = arith.select %ge3A_498, %add3A_437, %select_n3A_497 : vector<16xi1>, vector<16xi32>
      %ge3A_501 = arith.cmpf oge, %scan3A_486, %select_n3A_499 : vector<16xf32>
      %select_n3A_502 = arith.select %ge3A_501, %scan3A_486, %select_n3A_499 : vector<16xi1>, vector<16xf32>
      %select_n3A_503 = arith.select %ge3A_501, %add3A_440, %select_n3A_500 : vector<16xi1>, vector<16xi32>
      %ge3A_504 = arith.cmpf oge, %scan3A_487, %select_n3A_502 : vector<16xf32>
      %select_n3A_505 = arith.select %ge3A_504, %scan3A_487, %select_n3A_502 : vector<16xi1>, vector<16xf32>
      %select_n3A_506 = arith.select %ge3A_504, %add3A_443, %select_n3A_503 : vector<16xi1>, vector<16xi32>
      %ge3A_507 = arith.cmpf oge, %scan3A_488, %select_n3A_505 : vector<16xf32>
      %select_n3A_508 = arith.select %ge3A_507, %scan3A_488, %select_n3A_505 : vector<16xi1>, vector<16xf32>
      %select_n3A_509 = arith.select %ge3A_507, %add3A_446, %select_n3A_506 : vector<16xi1>, vector<16xi32>
      %ge3A_510 = arith.cmpf oge, %scan3A_489, %select_n3A_508 : vector<16xf32>
      %select_n3A_511 = arith.select %ge3A_510, %scan3A_489, %select_n3A_508 : vector<16xi1>, vector<16xf32>
      %select_n3A_512 = arith.select %ge3A_510, %add3A_449, %select_n3A_509 : vector<16xi1>, vector<16xi32>
      %ge3A_513 = arith.cmpf oge, %scan3A_490, %select_n3A_511 : vector<16xf32>
      %select_n3A_514 = arith.select %ge3A_513, %scan3A_490, %select_n3A_511 : vector<16xi1>, vector<16xf32>
      %select_n3A_515 = arith.select %ge3A_513, %add3A_452, %select_n3A_512 : vector<16xi1>, vector<16xi32>
      %ge3A_516 = arith.cmpf oge, %scan3A_491, %select_n3A_514 : vector<16xf32>
      %select_n3A_517 = arith.select %ge3A_516, %scan3A_491, %select_n3A_514 : vector<16xi1>, vector<16xf32>
      %select_n3A_518 = arith.select %ge3A_516, %add3A_455, %select_n3A_515 : vector<16xi1>, vector<16xi32>
      %ge3A_519 = arith.cmpf oge, %scan3A_492, %select_n3A_517 : vector<16xf32>
      %select_n3A_520 = arith.select %ge3A_519, %scan3A_492, %select_n3A_517 : vector<16xi1>, vector<16xf32>
      %select_n3A_521 = arith.select %ge3A_519, %add3A_458, %select_n3A_518 : vector<16xi1>, vector<16xi32>
      %ge3A_522 = arith.cmpf oge, %scan3A_493, %select_n3A_520 : vector<16xf32>
      %select_n3A_523 = arith.select %ge3A_522, %scan3A_493, %select_n3A_520 : vector<16xi1>, vector<16xf32>
      %select_n3A_524 = arith.select %ge3A_522, %add3A_461, %select_n3A_521 : vector<16xi1>, vector<16xi32>
      %ge3A_525 = arith.cmpf oge, %scan3A_494, %select_n3A_523 : vector<16xf32>
      %select_n3A_526 = arith.select %ge3A_525, %scan3A_494, %select_n3A_523 : vector<16xi1>, vector<16xf32>
      %select_n3A_527 = arith.select %ge3A_525, %add3A_464, %select_n3A_524 : vector<16xi1>, vector<16xi32>
      %ge3A_528 = arith.cmpf oge, %scan3A_495, %select_n3A_526 : vector<16xf32>
      %select_n3A_529 = arith.select %ge3A_528, %scan3A_495, %select_n3A_526 : vector<16xi1>, vector<16xf32>
      %select_n3A_530 = arith.select %ge3A_528, %add3A_467, %select_n3A_527 : vector<16xi1>, vector<16xi32>
      %broadcast_in_dim3A_531 = vector.shape_cast %xor3A_4 : vector<16xi32> to vector<16x1xi32>
      %gather3A = vector.shape_cast %broadcast_in_dim3A_531 : vector<16x1xi32> to vector<16xi32>
      %gather3A_532 = tpu.dynamic_gather %select_n3A_529[%gather3A] in [0] : vector<16xf32>, vector<16xi32> -> vector<16xf32>
      %max3A = arith.maximumf %select_n3A_529, %gather3A_532 : vector<16xf32>
      %broadcast_in_dim3A_533 = vector.shape_cast %xor3A_7 : vector<16xi32> to vector<16x1xi32>
      %gather3A_534 = vector.shape_cast %broadcast_in_dim3A_533 : vector<16x1xi32> to vector<16xi32>
      %gather3A_535 = tpu.dynamic_gather %max3A[%gather3A_534] in [0] : vector<16xf32>, vector<16xi32> -> vector<16xf32>
      %max3A_536 = arith.maximumf %max3A, %gather3A_535 : vector<16xf32>
      %broadcast_in_dim3A_537 = vector.shape_cast %xor3A_10 : vector<16xi32> to vector<16x1xi32>
      %gather3A_538 = vector.shape_cast %broadcast_in_dim3A_537 : vector<16x1xi32> to vector<16xi32>
      %gather3A_539 = tpu.dynamic_gather %max3A_536[%gather3A_538] in [0] : vector<16xf32>, vector<16xi32> -> vector<16xf32>
      %max3A_540 = arith.maximumf %max3A_536, %gather3A_539 : vector<16xf32>
      %broadcast_in_dim3A_541 = vector.shape_cast %xor3A_13 : vector<16xi32> to vector<16x1xi32>
      %gather3A_542 = vector.shape_cast %broadcast_in_dim3A_541 : vector<16x1xi32> to vector<16xi32>
      %gather3A_543 = tpu.dynamic_gather %max3A_540[%gather3A_542] in [0] : vector<16xf32>, vector<16xi32> -> vector<16xf32>
      %max3A_544 = arith.maximumf %max3A_540, %gather3A_543 : vector<16xf32>
      %eq3A = arith.cmpf oeq, %select_n3A_529, %max3A_544 : vector<16xf32>
      %jit3A = arith.constant -1 : i32
      %broadcast_in_dim3A_545 = vector.broadcast %jit3A : i32 to vector<16xi32>
      %select_n3A_546 = arith.select %eq3A, %select_n3A_530, %broadcast_in_dim3A_545 : vector<16xi1>, vector<16xi32>
      %broadcast_in_dim3A_547 = vector.shape_cast %xor3A_4 : vector<16xi32> to vector<16x1xi32>
      %gather3A_548 = vector.shape_cast %broadcast_in_dim3A_547 : vector<16x1xi32> to vector<16xi32>
      %gather3A_549 = tpu.dynamic_gather %select_n3A_546[%gather3A_548] in [0] : vector<16xi32>, vector<16xi32> -> vector<16xi32>
      %max3A_550 = arith.maxsi %select_n3A_546, %gather3A_549 : vector<16xi32>
      %broadcast_in_dim3A_551 = vector.shape_cast %xor3A_7 : vector<16xi32> to vector<16x1xi32>
      %gather3A_552 = vector.shape_cast %broadcast_in_dim3A_551 : vector<16x1xi32> to vector<16xi32>
      %gather3A_553 = tpu.dynamic_gather %max3A_550[%gather3A_552] in [0] : vector<16xi32>, vector<16xi32> -> vector<16xi32>
      %max3A_554 = arith.maxsi %max3A_550, %gather3A_553 : vector<16xi32>
      %broadcast_in_dim3A_555 = vector.shape_cast %xor3A_10 : vector<16xi32> to vector<16x1xi32>
      %gather3A_556 = vector.shape_cast %broadcast_in_dim3A_555 : vector<16x1xi32> to vector<16xi32>
      %gather3A_557 = tpu.dynamic_gather %max3A_554[%gather3A_556] in [0] : vector<16xi32>, vector<16xi32> -> vector<16xi32>
      %max3A_558 = arith.maxsi %max3A_554, %gather3A_557 : vector<16xi32>
      %broadcast_in_dim3A_559 = vector.shape_cast %xor3A_13 : vector<16xi32> to vector<16x1xi32>
      %gather3A_560 = vector.shape_cast %broadcast_in_dim3A_559 : vector<16x1xi32> to vector<16xi32>
      %gather3A_561 = tpu.dynamic_gather %max3A_558[%gather3A_560] in [0] : vector<16xi32>, vector<16xi32> -> vector<16xi32>
      %max3A_562 = arith.maxsi %max3A_558, %gather3A_561 : vector<16xi32>
      %eq3A_563 = vector.broadcast %scan3A_482 : i32 to vector<16xi32>
      %eq3A_564 = arith.cmpi eq, %iota3A, %eq3A_563 : vector<16xi32>
      %select_n3A_565 = arith.select %eq3A_564, %max3A_562, %scan3A_496 : vector<16xi1>, vector<16xi32>
      %eq3A_566 = arith.cmpi eq, %add3A_431, %max3A_562 : vector<16xi32>
      %jit3A_567 = arith.constant -3.000000e+38 : f32
      %broadcast_in_dim3A_568 = vector.broadcast %jit3A_567 : f32 to vector<16xf32>
      %select_n3A_569 = arith.select %eq3A_566, %broadcast_in_dim3A_568, %scan3A_483 : vector<16xi1>, vector<16xf32>
      %eq3A_570 = arith.cmpi eq, %add3A_434, %max3A_562 : vector<16xi32>
      %jit3A_571 = arith.constant -3.000000e+38 : f32
      %broadcast_in_dim3A_572 = vector.broadcast %jit3A_571 : f32 to vector<16xf32>
      %select_n3A_573 = arith.select %eq3A_570, %broadcast_in_dim3A_572, %scan3A_484 : vector<16xi1>, vector<16xf32>
      %eq3A_574 = arith.cmpi eq, %add3A_437, %max3A_562 : vector<16xi32>
      %jit3A_575 = arith.constant -3.000000e+38 : f32
      %broadcast_in_dim3A_576 = vector.broadcast %jit3A_575 : f32 to vector<16xf32>
      %select_n3A_577 = arith.select %eq3A_574, %broadcast_in_dim3A_576, %scan3A_485 : vector<16xi1>, vector<16xf32>
      %eq3A_578 = arith.cmpi eq, %add3A_440, %max3A_562 : vector<16xi32>
      %jit3A_579 = arith.constant -3.000000e+38 : f32
      %broadcast_in_dim3A_580 = vector.broadcast %jit3A_579 : f32 to vector<16xf32>
      %select_n3A_581 = arith.select %eq3A_578, %broadcast_in_dim3A_580, %scan3A_486 : vector<16xi1>, vector<16xf32>
      %eq3A_582 = arith.cmpi eq, %add3A_443, %max3A_562 : vector<16xi32>
      %jit3A_583 = arith.constant -3.000000e+38 : f32
      %broadcast_in_dim3A_584 = vector.broadcast %jit3A_583 : f32 to vector<16xf32>
      %select_n3A_585 = arith.select %eq3A_582, %broadcast_in_dim3A_584, %scan3A_487 : vector<16xi1>, vector<16xf32>
      %eq3A_586 = arith.cmpi eq, %add3A_446, %max3A_562 : vector<16xi32>
      %jit3A_587 = arith.constant -3.000000e+38 : f32
      %broadcast_in_dim3A_588 = vector.broadcast %jit3A_587 : f32 to vector<16xf32>
      %select_n3A_589 = arith.select %eq3A_586, %broadcast_in_dim3A_588, %scan3A_488 : vector<16xi1>, vector<16xf32>
      %eq3A_590 = arith.cmpi eq, %add3A_449, %max3A_562 : vector<16xi32>
      %jit3A_591 = arith.constant -3.000000e+38 : f32
      %broadcast_in_dim3A_592 = vector.broadcast %jit3A_591 : f32 to vector<16xf32>
      %select_n3A_593 = arith.select %eq3A_590, %broadcast_in_dim3A_592, %scan3A_489 : vector<16xi1>, vector<16xf32>
      %eq3A_594 = arith.cmpi eq, %add3A_452, %max3A_562 : vector<16xi32>
      %jit3A_595 = arith.constant -3.000000e+38 : f32
      %broadcast_in_dim3A_596 = vector.broadcast %jit3A_595 : f32 to vector<16xf32>
      %select_n3A_597 = arith.select %eq3A_594, %broadcast_in_dim3A_596, %scan3A_490 : vector<16xi1>, vector<16xf32>
      %eq3A_598 = arith.cmpi eq, %add3A_455, %max3A_562 : vector<16xi32>
      %jit3A_599 = arith.constant -3.000000e+38 : f32
      %broadcast_in_dim3A_600 = vector.broadcast %jit3A_599 : f32 to vector<16xf32>
      %select_n3A_601 = arith.select %eq3A_598, %broadcast_in_dim3A_600, %scan3A_491 : vector<16xi1>, vector<16xf32>
      %eq3A_602 = arith.cmpi eq, %add3A_458, %max3A_562 : vector<16xi32>
      %jit3A_603 = arith.constant -3.000000e+38 : f32
      %broadcast_in_dim3A_604 = vector.broadcast %jit3A_603 : f32 to vector<16xf32>
      %select_n3A_605 = arith.select %eq3A_602, %broadcast_in_dim3A_604, %scan3A_492 : vector<16xi1>, vector<16xf32>
      %eq3A_606 = arith.cmpi eq, %add3A_461, %max3A_562 : vector<16xi32>
      %jit3A_607 = arith.constant -3.000000e+38 : f32
      %broadcast_in_dim3A_608 = vector.broadcast %jit3A_607 : f32 to vector<16xf32>
      %select_n3A_609 = arith.select %eq3A_606, %broadcast_in_dim3A_608, %scan3A_493 : vector<16xi1>, vector<16xf32>
      %eq3A_610 = arith.cmpi eq, %add3A_464, %max3A_562 : vector<16xi32>
      %jit3A_611 = arith.constant -3.000000e+38 : f32
      %broadcast_in_dim3A_612 = vector.broadcast %jit3A_611 : f32 to vector<16xf32>
      %select_n3A_613 = arith.select %eq3A_610, %broadcast_in_dim3A_612, %scan3A_494 : vector<16xi1>, vector<16xf32>
      %eq3A_614 = arith.cmpi eq, %add3A_467, %max3A_562 : vector<16xi32>
      %jit3A_615 = arith.constant -3.000000e+38 : f32
      %broadcast_in_dim3A_616 = vector.broadcast %jit3A_615 : f32 to vector<16xf32>
      %select_n3A_617 = arith.select %eq3A_614, %broadcast_in_dim3A_616, %scan3A_495 : vector<16xi1>, vector<16xf32>
      scf.yield %select_n3A_569, %select_n3A_573, %select_n3A_577, %select_n3A_581, %select_n3A_585, %select_n3A_589, %select_n3A_593, %select_n3A_597, %select_n3A_601, %select_n3A_605, %select_n3A_609, %select_n3A_613, %select_n3A_617, %select_n3A_565 : vector<16xf32>, vector<16xf32>, vector<16xf32>, vector<16xf32>, vector<16xf32>, vector<16xf32>, vector<16xf32>, vector<16xf32>, vector<16xf32>, vector<16xf32>, vector<16xf32>, vector<16xf32>, vector<16xf32>, vector<16xi32>
    }
    %scan3A_475 = arith.constant 12 : i32
    %swap3A_476 = arith.constant 3 : i32
    %swap3A_477 = arith.index_cast %swap3A_476 : i32 to index
    %swap3A_478 = arith.constant 0 : index
    %swap3A_479 = tpu.vector_load %arg5[%swap3A_477, %swap3A_478] {strides = array<i32>} : memref<4x16xi32, #tpu.memory_space<vmem>>, vector<1x16xi32>,
    %swap3A_480 = vector.shape_cast %swap3A_479 : vector<1x16xi32> to vector<16xi32>
    %swap3A_481 = vector.shape_cast %scan3A_474#13 : vector<16xi32> to vector<1x16xi32>
    tpu.vector_store %arg5[%swap3A_477, %swap3A_478], %swap3A_481 {strides = array<i32>} : memref<4x16xi32, #tpu.memory_space<vmem>>, vector<1x16xi32>,
    "tpu.region"() ({
      %run_scoped3A = tpu.sem_alloc : memref<!tpu.dma_semaphore, #tpu.memory_space<semaphore_mem>>
      %dma_start3A = arith.constant 0 : i32
      %dma_start3A_482 = tpu.memref_slice %arg3[%mul3A_2, %dma_start3A] : memref<128x16xi32, #tpu.memory_space<hbm>> -> memref<4x16xi32, #tpu.memory_space<hbm>>
      %dma_start3A_483 = arith.constant 0 : i32
      %dma_start3A_484 = tpu.memref_slice %arg3[%mul3A_2, %dma_start3A_483] : memref<128x16xi32, #tpu.memory_space<hbm>> -> memref<4x16xi32, #tpu.memory_space<hbm>>
      tpu.enqueue_dma source(%arg5 : memref<4x16xi32, #tpu.memory_space<vmem>>) target(%dma_start3A_484 : memref<4x16xi32, #tpu.memory_space<hbm>>) target_semaphore(%run_scoped3A : memref<!tpu.dma_semaphore, #tpu.memory_space<semaphore_mem>>)
      %dma_wait3A = arith.constant 0 : i32
      %dma_wait3A_485 = tpu.memref_slice %arg3[%mul3A_2, %dma_wait3A] : memref<128x16xi32, #tpu.memory_space<hbm>> -> memref<4x16xi32, #tpu.memory_space<hbm>>
      %dma_wait3A_486 = arith.constant 0 : i32
      %dma_wait3A_487 = tpu.memref_slice %arg3[%mul3A_2, %dma_wait3A_486] : memref<128x16xi32, #tpu.memory_space<hbm>> -> memref<4x16xi32, #tpu.memory_space<hbm>>
      tpu.wait_dma2 semaphore(%run_scoped3A : memref<!tpu.dma_semaphore, #tpu.memory_space<semaphore_mem>>) src(%arg5 : memref<4x16xi32, #tpu.memory_space<vmem>>) dst(%dma_wait3A_487 : memref<4x16xi32, #tpu.memory_space<hbm>>)
      tpu.yield
    }) : () -> ()
    return
  }
}

module attributes {stable_mosaic.version = 14 : i64} {
  func.func @_scores_body(%arg0: i32, %arg1: i32, %arg2: memref<1x196x16x384xf32, #tpu.memory_space<vmem>>, %arg3: memref<384x8xf32, #tpu.memory_space<vmem>>, %arg4: memref<1x16x208xf32, #tpu.memory_space<vmem>>) attributes {dimension_semantics = [#tpu.dimension_semantics<arbitrary>, #tpu.dimension_semantics<arbitrary>], iteration_bounds = array<i64: 8, 1>, scalar_prefetch = 0 : i64, scratch_operands = 0 : i64, tpu.core_type = #tpu.core_type<tc>, window_params = [{transform_indices = @transform_0, window_bounds = array<i64: 1, 196, 16, 384>}, {pipeline_mode = #tpu.pipeline_mode<synchronous>, transform_indices = @transform_1, window_bounds = array<i64: 384, 8>}, {transform_indices = @transform_2, window_bounds = array<i64: 1, 16, 208>}]} {
    %sqrt3A = arith.constant 3.840000e+02 : f32
    %sqrt3A_0 = math.sqrt %sqrt3A : f32
    %div3A = arith.constant 1.000000e+00 : f32
    %div3A_1 = arith.divf %div3A, %sqrt3A_0 : f32
    %broadcast_in_dim3A = arith.constant -3.000000e+38 : f32
    %broadcast_in_dim3A_2 = vector.broadcast %broadcast_in_dim3A : f32 to vector<12xf32>
    %get3A = arith.constant 0 : index
    %get3A_3 = arith.constant 0 : index
    %get3A_4 = arith.constant 0 : index
    %get3A_5 = arith.constant 0 : index
    %get3A_6 = vector.load %arg2[%get3A, %get3A_3, %get3A_4, %get3A_5] : memref<1x196x16x384xf32, #tpu.memory_space<vmem>>, vector<1x196x16x384xf32>
    %get3A_7 = vector.shape_cast %get3A_6 : vector<1x196x16x384xf32> to vector<196x16x384xf32>
    %reshape3A = vector.shape_cast %get3A_7 : vector<196x16x384xf32> to vector<3136x384xf32>
    %get3A_8 = arith.constant 0 : index
    %get3A_9 = arith.constant 0 : index
    %get3A_10 = vector.load %arg3[%get3A_8, %get3A_9] : memref<384x8xf32, #tpu.memory_space<vmem>>, vector<384x8xf32>
    %dot_general3A = arith.constant dense<0.000000e+00> : vector<3136x8xf32>
    %dot_general3A_11 = tpu.matmul %reshape3A, %get3A_10, %dot_general3A {dimension_numbers = #tpu.dot_dimension_numbers<[1], [0], [0], [1], [0, 0, 1, 1], [], []>, transpose_lhs_hint = false} : vector<3136x384xf32>, vector<384x8xf32>, vector<3136x8xf32> -> vector<3136x8xf32>
    %reshape3A_12 = vector.shape_cast %dot_general3A_11 : vector<3136x8xf32> to vector<196x16x8xf32>
    %slice3A = vector.extract_strided_slice %reshape3A_12 {offsets = [0, 0, 0], sizes = [196, 1, 8], strides = [1, 1, 1]} : vector<196x16x8xf32> to vector<196x1x8xf32>
    %squeeze3A = vector.shape_cast %slice3A : vector<196x1x8xf32> to vector<196x8xf32>
    %slice3A_13 = vector.extract_strided_slice %squeeze3A {offsets = [0, 0], sizes = [196, 4], strides = [1, 1]} : vector<196x8xf32> to vector<196x4xf32>
    %slice3A_14 = vector.extract_strided_slice %squeeze3A {offsets = [0, 4], sizes = [196, 4], strides = [1, 1]} : vector<196x8xf32> to vector<196x4xf32>
    %dot_general3A_15 = arith.constant dense<0.000000e+00> : vector<196x196xf32>
    %dot_general3A_16 = tpu.matmul %slice3A_13, %slice3A_14, %dot_general3A_15 {dimension_numbers = #tpu.dot_dimension_numbers<[1], [1], [0], [0], [0, 0, 1, 0], [], []>, transpose_lhs_hint = false} : vector<196x4xf32>, vector<196x4xf32>, vector<196x196xf32> -> vector<196x196xf32>
    %mul3A = vector.broadcast %div3A_1 : f32 to vector<196x196xf32>
    %mul3A_17 = arith.mulf %dot_general3A_16, %mul3A : vector<196x196xf32>
    %reduce_max3A = arith.constant dense<0xFF800000> : vector<196xf32>
    %reduce_max3A_18 = vector.multi_reduction <maximumf>, %mul3A_17, %reduce_max3A [1] : vector<196x196xf32> to vector<196xf32>
    %broadcast_in_dim3A_19 = vector.shape_cast %reduce_max3A_18 : vector<196xf32> to vector<196x1xf32>
    %sub3A = vector.broadcast %broadcast_in_dim3A_19 : vector<196x1xf32> to vector<196x196xf32>
    %sub3A_20 = arith.subf %mul3A_17, %sub3A : vector<196x196xf32>
    %exp3A = math.exp %sub3A_20 : vector<196x196xf32>
    %reduce_sum3A = arith.constant dense<0.000000e+00> : vector<196xf32>
    %reduce_sum3A_21 = vector.multi_reduction <add>, %exp3A, %reduce_sum3A [1] : vector<196x196xf32> to vector<196xf32>
    %broadcast_in_dim3A_22 = vector.shape_cast %reduce_sum3A_21 : vector<196xf32> to vector<196x1xf32>
    %div3A_23 = vector.broadcast %broadcast_in_dim3A_22 : vector<196x1xf32> to vector<196x196xf32>
    %div3A_24 = arith.divf %exp3A, %div3A_23 : vector<196x196xf32>
    %reduce_sum3A_25 = arith.constant dense<0.000000e+00> : vector<196xf32>
    %reduce_sum3A_26 = vector.multi_reduction <add>, %div3A_24, %reduce_sum3A_25 [0] : vector<196x196xf32> to vector<196xf32>
    %concatenate3A = tpu.concatenate %reduce_sum3A_26, %broadcast_in_dim3A_2 in 0 : vector<196xf32>, vector<12xf32> -> vector<208xf32>
    %swap3A = arith.constant 0 : index
    %swap3A_27 = arith.constant 0 : index
    %swap3A_28 = arith.constant 0 : index
    %swap3A_29 = vector.load %arg4[%swap3A, %swap3A_27, %swap3A_28] : memref<1x16x208xf32, #tpu.memory_space<vmem>>, vector<1x1x208xf32>
    %swap3A_30 = vector.shape_cast %swap3A_29 : vector<1x1x208xf32> to vector<208xf32>
    %swap3A_31 = vector.shape_cast %concatenate3A : vector<208xf32> to vector<1x1x208xf32>
    tpu.vector_store %arg4[%swap3A, %swap3A_27, %swap3A_28], %swap3A_31 {strides = array<i32>} : memref<1x16x208xf32, #tpu.memory_space<vmem>>, vector<1x1x208xf32>,
    %slice3A_32 = vector.extract_strided_slice %reshape3A_12 {offsets = [0, 1, 0], sizes = [196, 1, 8], strides = [1, 1, 1]} : vector<196x16x8xf32> to vector<196x1x8xf32>
    %squeeze3A_33 = vector.shape_cast %slice3A_32 : vector<196x1x8xf32> to vector<196x8xf32>
    %slice3A_34 = vector.extract_strided_slice %squeeze3A_33 {offsets = [0, 0], sizes = [196, 4], strides = [1, 1]} : vector<196x8xf32> to vector<196x4xf32>
    %slice3A_35 = vector.extract_strided_slice %squeeze3A_33 {offsets = [0, 4], sizes = [196, 4], strides = [1, 1]} : vector<196x8xf32> to vector<196x4xf32>
    %dot_general3A_36 = arith.constant dense<0.000000e+00> : vector<196x196xf32>
    %dot_general3A_37 = tpu.matmul %slice3A_34, %slice3A_35, %dot_general3A_36 {dimension_numbers = #tpu.dot_dimension_numbers<[1], [1], [0], [0], [0, 0, 1, 0], [], []>, transpose_lhs_hint = false} : vector<196x4xf32>, vector<196x4xf32>, vector<196x196xf32> -> vector<196x196xf32>
    %mul3A_38 = vector.broadcast %div3A_1 : f32 to vector<196x196xf32>
    %mul3A_39 = arith.mulf %dot_general3A_37, %mul3A_38 : vector<196x196xf32>
    %reduce_max3A_40 = arith.constant dense<0xFF800000> : vector<196xf32>
    %reduce_max3A_41 = vector.multi_reduction <maximumf>, %mul3A_39, %reduce_max3A_40 [1] : vector<196x196xf32> to vector<196xf32>
    %broadcast_in_dim3A_42 = vector.shape_cast %reduce_max3A_41 : vector<196xf32> to vector<196x1xf32>
    %sub3A_43 = vector.broadcast %broadcast_in_dim3A_42 : vector<196x1xf32> to vector<196x196xf32>
    %sub3A_44 = arith.subf %mul3A_39, %sub3A_43 : vector<196x196xf32>
    %exp3A_45 = math.exp %sub3A_44 : vector<196x196xf32>
    %reduce_sum3A_46 = arith.constant dense<0.000000e+00> : vector<196xf32>
    %reduce_sum3A_47 = vector.multi_reduction <add>, %exp3A_45, %reduce_sum3A_46 [1] : vector<196x196xf32> to vector<196xf32>
    %broadcast_in_dim3A_48 = vector.shape_cast %reduce_sum3A_47 : vector<196xf32> to vector<196x1xf32>
    %div3A_49 = vector.broadcast %broadcast_in_dim3A_48 : vector<196x1xf32> to vector<196x196xf32>
    %div3A_50 = arith.divf %exp3A_45, %div3A_49 : vector<196x196xf32>
    %reduce_sum3A_51 = arith.constant dense<0.000000e+00> : vector<196xf32>
    %reduce_sum3A_52 = vector.multi_reduction <add>, %div3A_50, %reduce_sum3A_51 [0] : vector<196x196xf32> to vector<196xf32>
    %concatenate3A_53 = tpu.concatenate %reduce_sum3A_52, %broadcast_in_dim3A_2 in 0 : vector<196xf32>, vector<12xf32> -> vector<208xf32>
    %swap3A_54 = arith.constant 0 : index
    %swap3A_55 = arith.constant 1 : index
    %swap3A_56 = arith.constant 0 : index
    %swap3A_57 = vector.load %arg4[%swap3A_54, %swap3A_55, %swap3A_56] : memref<1x16x208xf32, #tpu.memory_space<vmem>>, vector<1x1x208xf32>
    %swap3A_58 = vector.shape_cast %swap3A_57 : vector<1x1x208xf32> to vector<208xf32>
    %swap3A_59 = vector.shape_cast %concatenate3A_53 : vector<208xf32> to vector<1x1x208xf32>
    tpu.vector_store %arg4[%swap3A_54, %swap3A_55, %swap3A_56], %swap3A_59 {strides = array<i32>} : memref<1x16x208xf32, #tpu.memory_space<vmem>>, vector<1x1x208xf32>,
    %slice3A_60 = vector.extract_strided_slice %reshape3A_12 {offsets = [0, 2, 0], sizes = [196, 1, 8], strides = [1, 1, 1]} : vector<196x16x8xf32> to vector<196x1x8xf32>
    %squeeze3A_61 = vector.shape_cast %slice3A_60 : vector<196x1x8xf32> to vector<196x8xf32>
    %slice3A_62 = vector.extract_strided_slice %squeeze3A_61 {offsets = [0, 0], sizes = [196, 4], strides = [1, 1]} : vector<196x8xf32> to vector<196x4xf32>
    %slice3A_63 = vector.extract_strided_slice %squeeze3A_61 {offsets = [0, 4], sizes = [196, 4], strides = [1, 1]} : vector<196x8xf32> to vector<196x4xf32>
    %dot_general3A_64 = arith.constant dense<0.000000e+00> : vector<196x196xf32>
    %dot_general3A_65 = tpu.matmul %slice3A_62, %slice3A_63, %dot_general3A_64 {dimension_numbers = #tpu.dot_dimension_numbers<[1], [1], [0], [0], [0, 0, 1, 0], [], []>, transpose_lhs_hint = false} : vector<196x4xf32>, vector<196x4xf32>, vector<196x196xf32> -> vector<196x196xf32>
    %mul3A_66 = vector.broadcast %div3A_1 : f32 to vector<196x196xf32>
    %mul3A_67 = arith.mulf %dot_general3A_65, %mul3A_66 : vector<196x196xf32>
    %reduce_max3A_68 = arith.constant dense<0xFF800000> : vector<196xf32>
    %reduce_max3A_69 = vector.multi_reduction <maximumf>, %mul3A_67, %reduce_max3A_68 [1] : vector<196x196xf32> to vector<196xf32>
    %broadcast_in_dim3A_70 = vector.shape_cast %reduce_max3A_69 : vector<196xf32> to vector<196x1xf32>
    %sub3A_71 = vector.broadcast %broadcast_in_dim3A_70 : vector<196x1xf32> to vector<196x196xf32>
    %sub3A_72 = arith.subf %mul3A_67, %sub3A_71 : vector<196x196xf32>
    %exp3A_73 = math.exp %sub3A_72 : vector<196x196xf32>
    %reduce_sum3A_74 = arith.constant dense<0.000000e+00> : vector<196xf32>
    %reduce_sum3A_75 = vector.multi_reduction <add>, %exp3A_73, %reduce_sum3A_74 [1] : vector<196x196xf32> to vector<196xf32>
    %broadcast_in_dim3A_76 = vector.shape_cast %reduce_sum3A_75 : vector<196xf32> to vector<196x1xf32>
    %div3A_77 = vector.broadcast %broadcast_in_dim3A_76 : vector<196x1xf32> to vector<196x196xf32>
    %div3A_78 = arith.divf %exp3A_73, %div3A_77 : vector<196x196xf32>
    %reduce_sum3A_79 = arith.constant dense<0.000000e+00> : vector<196xf32>
    %reduce_sum3A_80 = vector.multi_reduction <add>, %div3A_78, %reduce_sum3A_79 [0] : vector<196x196xf32> to vector<196xf32>
    %concatenate3A_81 = tpu.concatenate %reduce_sum3A_80, %broadcast_in_dim3A_2 in 0 : vector<196xf32>, vector<12xf32> -> vector<208xf32>
    %swap3A_82 = arith.constant 0 : index
    %swap3A_83 = arith.constant 2 : index
    %swap3A_84 = arith.constant 0 : index
    %swap3A_85 = vector.load %arg4[%swap3A_82, %swap3A_83, %swap3A_84] : memref<1x16x208xf32, #tpu.memory_space<vmem>>, vector<1x1x208xf32>
    %swap3A_86 = vector.shape_cast %swap3A_85 : vector<1x1x208xf32> to vector<208xf32>
    %swap3A_87 = vector.shape_cast %concatenate3A_81 : vector<208xf32> to vector<1x1x208xf32>
    tpu.vector_store %arg4[%swap3A_82, %swap3A_83, %swap3A_84], %swap3A_87 {strides = array<i32>} : memref<1x16x208xf32, #tpu.memory_space<vmem>>, vector<1x1x208xf32>,
    %slice3A_88 = vector.extract_strided_slice %reshape3A_12 {offsets = [0, 3, 0], sizes = [196, 1, 8], strides = [1, 1, 1]} : vector<196x16x8xf32> to vector<196x1x8xf32>
    %squeeze3A_89 = vector.shape_cast %slice3A_88 : vector<196x1x8xf32> to vector<196x8xf32>
    %slice3A_90 = vector.extract_strided_slice %squeeze3A_89 {offsets = [0, 0], sizes = [196, 4], strides = [1, 1]} : vector<196x8xf32> to vector<196x4xf32>
    %slice3A_91 = vector.extract_strided_slice %squeeze3A_89 {offsets = [0, 4], sizes = [196, 4], strides = [1, 1]} : vector<196x8xf32> to vector<196x4xf32>
    %dot_general3A_92 = arith.constant dense<0.000000e+00> : vector<196x196xf32>
    %dot_general3A_93 = tpu.matmul %slice3A_90, %slice3A_91, %dot_general3A_92 {dimension_numbers = #tpu.dot_dimension_numbers<[1], [1], [0], [0], [0, 0, 1, 0], [], []>, transpose_lhs_hint = false} : vector<196x4xf32>, vector<196x4xf32>, vector<196x196xf32> -> vector<196x196xf32>
    %mul3A_94 = vector.broadcast %div3A_1 : f32 to vector<196x196xf32>
    %mul3A_95 = arith.mulf %dot_general3A_93, %mul3A_94 : vector<196x196xf32>
    %reduce_max3A_96 = arith.constant dense<0xFF800000> : vector<196xf32>
    %reduce_max3A_97 = vector.multi_reduction <maximumf>, %mul3A_95, %reduce_max3A_96 [1] : vector<196x196xf32> to vector<196xf32>
    %broadcast_in_dim3A_98 = vector.shape_cast %reduce_max3A_97 : vector<196xf32> to vector<196x1xf32>
    %sub3A_99 = vector.broadcast %broadcast_in_dim3A_98 : vector<196x1xf32> to vector<196x196xf32>
    %sub3A_100 = arith.subf %mul3A_95, %sub3A_99 : vector<196x196xf32>
    %exp3A_101 = math.exp %sub3A_100 : vector<196x196xf32>
    %reduce_sum3A_102 = arith.constant dense<0.000000e+00> : vector<196xf32>
    %reduce_sum3A_103 = vector.multi_reduction <add>, %exp3A_101, %reduce_sum3A_102 [1] : vector<196x196xf32> to vector<196xf32>
    %broadcast_in_dim3A_104 = vector.shape_cast %reduce_sum3A_103 : vector<196xf32> to vector<196x1xf32>
    %div3A_105 = vector.broadcast %broadcast_in_dim3A_104 : vector<196x1xf32> to vector<196x196xf32>
    %div3A_106 = arith.divf %exp3A_101, %div3A_105 : vector<196x196xf32>
    %reduce_sum3A_107 = arith.constant dense<0.000000e+00> : vector<196xf32>
    %reduce_sum3A_108 = vector.multi_reduction <add>, %div3A_106, %reduce_sum3A_107 [0] : vector<196x196xf32> to vector<196xf32>
    %concatenate3A_109 = tpu.concatenate %reduce_sum3A_108, %broadcast_in_dim3A_2 in 0 : vector<196xf32>, vector<12xf32> -> vector<208xf32>
    %swap3A_110 = arith.constant 0 : index
    %swap3A_111 = arith.constant 3 : index
    %swap3A_112 = arith.constant 0 : index
    %swap3A_113 = vector.load %arg4[%swap3A_110, %swap3A_111, %swap3A_112] : memref<1x16x208xf32, #tpu.memory_space<vmem>>, vector<1x1x208xf32>
    %swap3A_114 = vector.shape_cast %swap3A_113 : vector<1x1x208xf32> to vector<208xf32>
    %swap3A_115 = vector.shape_cast %concatenate3A_109 : vector<208xf32> to vector<1x1x208xf32>
    tpu.vector_store %arg4[%swap3A_110, %swap3A_111, %swap3A_112], %swap3A_115 {strides = array<i32>} : memref<1x16x208xf32, #tpu.memory_space<vmem>>, vector<1x1x208xf32>,
    %slice3A_116 = vector.extract_strided_slice %reshape3A_12 {offsets = [0, 4, 0], sizes = [196, 1, 8], strides = [1, 1, 1]} : vector<196x16x8xf32> to vector<196x1x8xf32>
    %squeeze3A_117 = vector.shape_cast %slice3A_116 : vector<196x1x8xf32> to vector<196x8xf32>
    %slice3A_118 = vector.extract_strided_slice %squeeze3A_117 {offsets = [0, 0], sizes = [196, 4], strides = [1, 1]} : vector<196x8xf32> to vector<196x4xf32>
    %slice3A_119 = vector.extract_strided_slice %squeeze3A_117 {offsets = [0, 4], sizes = [196, 4], strides = [1, 1]} : vector<196x8xf32> to vector<196x4xf32>
    %dot_general3A_120 = arith.constant dense<0.000000e+00> : vector<196x196xf32>
    %dot_general3A_121 = tpu.matmul %slice3A_118, %slice3A_119, %dot_general3A_120 {dimension_numbers = #tpu.dot_dimension_numbers<[1], [1], [0], [0], [0, 0, 1, 0], [], []>, transpose_lhs_hint = false} : vector<196x4xf32>, vector<196x4xf32>, vector<196x196xf32> -> vector<196x196xf32>
    %mul3A_122 = vector.broadcast %div3A_1 : f32 to vector<196x196xf32>
    %mul3A_123 = arith.mulf %dot_general3A_121, %mul3A_122 : vector<196x196xf32>
    %reduce_max3A_124 = arith.constant dense<0xFF800000> : vector<196xf32>
    %reduce_max3A_125 = vector.multi_reduction <maximumf>, %mul3A_123, %reduce_max3A_124 [1] : vector<196x196xf32> to vector<196xf32>
    %broadcast_in_dim3A_126 = vector.shape_cast %reduce_max3A_125 : vector<196xf32> to vector<196x1xf32>
    %sub3A_127 = vector.broadcast %broadcast_in_dim3A_126 : vector<196x1xf32> to vector<196x196xf32>
    %sub3A_128 = arith.subf %mul3A_123, %sub3A_127 : vector<196x196xf32>
    %exp3A_129 = math.exp %sub3A_128 : vector<196x196xf32>
    %reduce_sum3A_130 = arith.constant dense<0.000000e+00> : vector<196xf32>
    %reduce_sum3A_131 = vector.multi_reduction <add>, %exp3A_129, %reduce_sum3A_130 [1] : vector<196x196xf32> to vector<196xf32>
    %broadcast_in_dim3A_132 = vector.shape_cast %reduce_sum3A_131 : vector<196xf32> to vector<196x1xf32>
    %div3A_133 = vector.broadcast %broadcast_in_dim3A_132 : vector<196x1xf32> to vector<196x196xf32>
    %div3A_134 = arith.divf %exp3A_129, %div3A_133 : vector<196x196xf32>
    %reduce_sum3A_135 = arith.constant dense<0.000000e+00> : vector<196xf32>
    %reduce_sum3A_136 = vector.multi_reduction <add>, %div3A_134, %reduce_sum3A_135 [0] : vector<196x196xf32> to vector<196xf32>
    %concatenate3A_137 = tpu.concatenate %reduce_sum3A_136, %broadcast_in_dim3A_2 in 0 : vector<196xf32>, vector<12xf32> -> vector<208xf32>
    %swap3A_138 = arith.constant 0 : index
    %swap3A_139 = arith.constant 4 : index
    %swap3A_140 = arith.constant 0 : index
    %swap3A_141 = vector.load %arg4[%swap3A_138, %swap3A_139, %swap3A_140] : memref<1x16x208xf32, #tpu.memory_space<vmem>>, vector<1x1x208xf32>
    %swap3A_142 = vector.shape_cast %swap3A_141 : vector<1x1x208xf32> to vector<208xf32>
    %swap3A_143 = vector.shape_cast %concatenate3A_137 : vector<208xf32> to vector<1x1x208xf32>
    tpu.vector_store %arg4[%swap3A_138, %swap3A_139, %swap3A_140], %swap3A_143 {strides = array<i32>} : memref<1x16x208xf32, #tpu.memory_space<vmem>>, vector<1x1x208xf32>,
    %slice3A_144 = vector.extract_strided_slice %reshape3A_12 {offsets = [0, 5, 0], sizes = [196, 1, 8], strides = [1, 1, 1]} : vector<196x16x8xf32> to vector<196x1x8xf32>
    %squeeze3A_145 = vector.shape_cast %slice3A_144 : vector<196x1x8xf32> to vector<196x8xf32>
    %slice3A_146 = vector.extract_strided_slice %squeeze3A_145 {offsets = [0, 0], sizes = [196, 4], strides = [1, 1]} : vector<196x8xf32> to vector<196x4xf32>
    %slice3A_147 = vector.extract_strided_slice %squeeze3A_145 {offsets = [0, 4], sizes = [196, 4], strides = [1, 1]} : vector<196x8xf32> to vector<196x4xf32>
    %dot_general3A_148 = arith.constant dense<0.000000e+00> : vector<196x196xf32>
    %dot_general3A_149 = tpu.matmul %slice3A_146, %slice3A_147, %dot_general3A_148 {dimension_numbers = #tpu.dot_dimension_numbers<[1], [1], [0], [0], [0, 0, 1, 0], [], []>, transpose_lhs_hint = false} : vector<196x4xf32>, vector<196x4xf32>, vector<196x196xf32> -> vector<196x196xf32>
    %mul3A_150 = vector.broadcast %div3A_1 : f32 to vector<196x196xf32>
    %mul3A_151 = arith.mulf %dot_general3A_149, %mul3A_150 : vector<196x196xf32>
    %reduce_max3A_152 = arith.constant dense<0xFF800000> : vector<196xf32>
    %reduce_max3A_153 = vector.multi_reduction <maximumf>, %mul3A_151, %reduce_max3A_152 [1] : vector<196x196xf32> to vector<196xf32>
    %broadcast_in_dim3A_154 = vector.shape_cast %reduce_max3A_153 : vector<196xf32> to vector<196x1xf32>
    %sub3A_155 = vector.broadcast %broadcast_in_dim3A_154 : vector<196x1xf32> to vector<196x196xf32>
    %sub3A_156 = arith.subf %mul3A_151, %sub3A_155 : vector<196x196xf32>
    %exp3A_157 = math.exp %sub3A_156 : vector<196x196xf32>
    %reduce_sum3A_158 = arith.constant dense<0.000000e+00> : vector<196xf32>
    %reduce_sum3A_159 = vector.multi_reduction <add>, %exp3A_157, %reduce_sum3A_158 [1] : vector<196x196xf32> to vector<196xf32>
    %broadcast_in_dim3A_160 = vector.shape_cast %reduce_sum3A_159 : vector<196xf32> to vector<196x1xf32>
    %div3A_161 = vector.broadcast %broadcast_in_dim3A_160 : vector<196x1xf32> to vector<196x196xf32>
    %div3A_162 = arith.divf %exp3A_157, %div3A_161 : vector<196x196xf32>
    %reduce_sum3A_163 = arith.constant dense<0.000000e+00> : vector<196xf32>
    %reduce_sum3A_164 = vector.multi_reduction <add>, %div3A_162, %reduce_sum3A_163 [0] : vector<196x196xf32> to vector<196xf32>
    %concatenate3A_165 = tpu.concatenate %reduce_sum3A_164, %broadcast_in_dim3A_2 in 0 : vector<196xf32>, vector<12xf32> -> vector<208xf32>
    %swap3A_166 = arith.constant 0 : index
    %swap3A_167 = arith.constant 5 : index
    %swap3A_168 = arith.constant 0 : index
    %swap3A_169 = vector.load %arg4[%swap3A_166, %swap3A_167, %swap3A_168] : memref<1x16x208xf32, #tpu.memory_space<vmem>>, vector<1x1x208xf32>
    %swap3A_170 = vector.shape_cast %swap3A_169 : vector<1x1x208xf32> to vector<208xf32>
    %swap3A_171 = vector.shape_cast %concatenate3A_165 : vector<208xf32> to vector<1x1x208xf32>
    tpu.vector_store %arg4[%swap3A_166, %swap3A_167, %swap3A_168], %swap3A_171 {strides = array<i32>} : memref<1x16x208xf32, #tpu.memory_space<vmem>>, vector<1x1x208xf32>,
    %slice3A_172 = vector.extract_strided_slice %reshape3A_12 {offsets = [0, 6, 0], sizes = [196, 1, 8], strides = [1, 1, 1]} : vector<196x16x8xf32> to vector<196x1x8xf32>
    %squeeze3A_173 = vector.shape_cast %slice3A_172 : vector<196x1x8xf32> to vector<196x8xf32>
    %slice3A_174 = vector.extract_strided_slice %squeeze3A_173 {offsets = [0, 0], sizes = [196, 4], strides = [1, 1]} : vector<196x8xf32> to vector<196x4xf32>
    %slice3A_175 = vector.extract_strided_slice %squeeze3A_173 {offsets = [0, 4], sizes = [196, 4], strides = [1, 1]} : vector<196x8xf32> to vector<196x4xf32>
    %dot_general3A_176 = arith.constant dense<0.000000e+00> : vector<196x196xf32>
    %dot_general3A_177 = tpu.matmul %slice3A_174, %slice3A_175, %dot_general3A_176 {dimension_numbers = #tpu.dot_dimension_numbers<[1], [1], [0], [0], [0, 0, 1, 0], [], []>, transpose_lhs_hint = false} : vector<196x4xf32>, vector<196x4xf32>, vector<196x196xf32> -> vector<196x196xf32>
    %mul3A_178 = vector.broadcast %div3A_1 : f32 to vector<196x196xf32>
    %mul3A_179 = arith.mulf %dot_general3A_177, %mul3A_178 : vector<196x196xf32>
    %reduce_max3A_180 = arith.constant dense<0xFF800000> : vector<196xf32>
    %reduce_max3A_181 = vector.multi_reduction <maximumf>, %mul3A_179, %reduce_max3A_180 [1] : vector<196x196xf32> to vector<196xf32>
    %broadcast_in_dim3A_182 = vector.shape_cast %reduce_max3A_181 : vector<196xf32> to vector<196x1xf32>
    %sub3A_183 = vector.broadcast %broadcast_in_dim3A_182 : vector<196x1xf32> to vector<196x196xf32>
    %sub3A_184 = arith.subf %mul3A_179, %sub3A_183 : vector<196x196xf32>
    %exp3A_185 = math.exp %sub3A_184 : vector<196x196xf32>
    %reduce_sum3A_186 = arith.constant dense<0.000000e+00> : vector<196xf32>
    %reduce_sum3A_187 = vector.multi_reduction <add>, %exp3A_185, %reduce_sum3A_186 [1] : vector<196x196xf32> to vector<196xf32>
    %broadcast_in_dim3A_188 = vector.shape_cast %reduce_sum3A_187 : vector<196xf32> to vector<196x1xf32>
    %div3A_189 = vector.broadcast %broadcast_in_dim3A_188 : vector<196x1xf32> to vector<196x196xf32>
    %div3A_190 = arith.divf %exp3A_185, %div3A_189 : vector<196x196xf32>
    %reduce_sum3A_191 = arith.constant dense<0.000000e+00> : vector<196xf32>
    %reduce_sum3A_192 = vector.multi_reduction <add>, %div3A_190, %reduce_sum3A_191 [0] : vector<196x196xf32> to vector<196xf32>
    %concatenate3A_193 = tpu.concatenate %reduce_sum3A_192, %broadcast_in_dim3A_2 in 0 : vector<196xf32>, vector<12xf32> -> vector<208xf32>
    %swap3A_194 = arith.constant 0 : index
    %swap3A_195 = arith.constant 6 : index
    %swap3A_196 = arith.constant 0 : index
    %swap3A_197 = vector.load %arg4[%swap3A_194, %swap3A_195, %swap3A_196] : memref<1x16x208xf32, #tpu.memory_space<vmem>>, vector<1x1x208xf32>
    %swap3A_198 = vector.shape_cast %swap3A_197 : vector<1x1x208xf32> to vector<208xf32>
    %swap3A_199 = vector.shape_cast %concatenate3A_193 : vector<208xf32> to vector<1x1x208xf32>
    tpu.vector_store %arg4[%swap3A_194, %swap3A_195, %swap3A_196], %swap3A_199 {strides = array<i32>} : memref<1x16x208xf32, #tpu.memory_space<vmem>>, vector<1x1x208xf32>,
    %slice3A_200 = vector.extract_strided_slice %reshape3A_12 {offsets = [0, 7, 0], sizes = [196, 1, 8], strides = [1, 1, 1]} : vector<196x16x8xf32> to vector<196x1x8xf32>
    %squeeze3A_201 = vector.shape_cast %slice3A_200 : vector<196x1x8xf32> to vector<196x8xf32>
    %slice3A_202 = vector.extract_strided_slice %squeeze3A_201 {offsets = [0, 0], sizes = [196, 4], strides = [1, 1]} : vector<196x8xf32> to vector<196x4xf32>
    %slice3A_203 = vector.extract_strided_slice %squeeze3A_201 {offsets = [0, 4], sizes = [196, 4], strides = [1, 1]} : vector<196x8xf32> to vector<196x4xf32>
    %dot_general3A_204 = arith.constant dense<0.000000e+00> : vector<196x196xf32>
    %dot_general3A_205 = tpu.matmul %slice3A_202, %slice3A_203, %dot_general3A_204 {dimension_numbers = #tpu.dot_dimension_numbers<[1], [1], [0], [0], [0, 0, 1, 0], [], []>, transpose_lhs_hint = false} : vector<196x4xf32>, vector<196x4xf32>, vector<196x196xf32> -> vector<196x196xf32>
    %mul3A_206 = vector.broadcast %div3A_1 : f32 to vector<196x196xf32>
    %mul3A_207 = arith.mulf %dot_general3A_205, %mul3A_206 : vector<196x196xf32>
    %reduce_max3A_208 = arith.constant dense<0xFF800000> : vector<196xf32>
    %reduce_max3A_209 = vector.multi_reduction <maximumf>, %mul3A_207, %reduce_max3A_208 [1] : vector<196x196xf32> to vector<196xf32>
    %broadcast_in_dim3A_210 = vector.shape_cast %reduce_max3A_209 : vector<196xf32> to vector<196x1xf32>
    %sub3A_211 = vector.broadcast %broadcast_in_dim3A_210 : vector<196x1xf32> to vector<196x196xf32>
    %sub3A_212 = arith.subf %mul3A_207, %sub3A_211 : vector<196x196xf32>
    %exp3A_213 = math.exp %sub3A_212 : vector<196x196xf32>
    %reduce_sum3A_214 = arith.constant dense<0.000000e+00> : vector<196xf32>
    %reduce_sum3A_215 = vector.multi_reduction <add>, %exp3A_213, %reduce_sum3A_214 [1] : vector<196x196xf32> to vector<196xf32>
    %broadcast_in_dim3A_216 = vector.shape_cast %reduce_sum3A_215 : vector<196xf32> to vector<196x1xf32>
    %div3A_217 = vector.broadcast %broadcast_in_dim3A_216 : vector<196x1xf32> to vector<196x196xf32>
    %div3A_218 = arith.divf %exp3A_213, %div3A_217 : vector<196x196xf32>
    %reduce_sum3A_219 = arith.constant dense<0.000000e+00> : vector<196xf32>
    %reduce_sum3A_220 = vector.multi_reduction <add>, %div3A_218, %reduce_sum3A_219 [0] : vector<196x196xf32> to vector<196xf32>
    %concatenate3A_221 = tpu.concatenate %reduce_sum3A_220, %broadcast_in_dim3A_2 in 0 : vector<196xf32>, vector<12xf32> -> vector<208xf32>
    %swap3A_222 = arith.constant 0 : index
    %swap3A_223 = arith.constant 7 : index
    %swap3A_224 = arith.constant 0 : index
    %swap3A_225 = vector.load %arg4[%swap3A_222, %swap3A_223, %swap3A_224] : memref<1x16x208xf32, #tpu.memory_space<vmem>>, vector<1x1x208xf32>
    %swap3A_226 = vector.shape_cast %swap3A_225 : vector<1x1x208xf32> to vector<208xf32>
    %swap3A_227 = vector.shape_cast %concatenate3A_221 : vector<208xf32> to vector<1x1x208xf32>
    tpu.vector_store %arg4[%swap3A_222, %swap3A_223, %swap3A_224], %swap3A_227 {strides = array<i32>} : memref<1x16x208xf32, #tpu.memory_space<vmem>>, vector<1x1x208xf32>,
    %slice3A_228 = vector.extract_strided_slice %reshape3A_12 {offsets = [0, 8, 0], sizes = [196, 1, 8], strides = [1, 1, 1]} : vector<196x16x8xf32> to vector<196x1x8xf32>
    %squeeze3A_229 = vector.shape_cast %slice3A_228 : vector<196x1x8xf32> to vector<196x8xf32>
    %slice3A_230 = vector.extract_strided_slice %squeeze3A_229 {offsets = [0, 0], sizes = [196, 4], strides = [1, 1]} : vector<196x8xf32> to vector<196x4xf32>
    %slice3A_231 = vector.extract_strided_slice %squeeze3A_229 {offsets = [0, 4], sizes = [196, 4], strides = [1, 1]} : vector<196x8xf32> to vector<196x4xf32>
    %dot_general3A_232 = arith.constant dense<0.000000e+00> : vector<196x196xf32>
    %dot_general3A_233 = tpu.matmul %slice3A_230, %slice3A_231, %dot_general3A_232 {dimension_numbers = #tpu.dot_dimension_numbers<[1], [1], [0], [0], [0, 0, 1, 0], [], []>, transpose_lhs_hint = false} : vector<196x4xf32>, vector<196x4xf32>, vector<196x196xf32> -> vector<196x196xf32>
    %mul3A_234 = vector.broadcast %div3A_1 : f32 to vector<196x196xf32>
    %mul3A_235 = arith.mulf %dot_general3A_233, %mul3A_234 : vector<196x196xf32>
    %reduce_max3A_236 = arith.constant dense<0xFF800000> : vector<196xf32>
    %reduce_max3A_237 = vector.multi_reduction <maximumf>, %mul3A_235, %reduce_max3A_236 [1] : vector<196x196xf32> to vector<196xf32>
    %broadcast_in_dim3A_238 = vector.shape_cast %reduce_max3A_237 : vector<196xf32> to vector<196x1xf32>
    %sub3A_239 = vector.broadcast %broadcast_in_dim3A_238 : vector<196x1xf32> to vector<196x196xf32>
    %sub3A_240 = arith.subf %mul3A_235, %sub3A_239 : vector<196x196xf32>
    %exp3A_241 = math.exp %sub3A_240 : vector<196x196xf32>
    %reduce_sum3A_242 = arith.constant dense<0.000000e+00> : vector<196xf32>
    %reduce_sum3A_243 = vector.multi_reduction <add>, %exp3A_241, %reduce_sum3A_242 [1] : vector<196x196xf32> to vector<196xf32>
    %broadcast_in_dim3A_244 = vector.shape_cast %reduce_sum3A_243 : vector<196xf32> to vector<196x1xf32>
    %div3A_245 = vector.broadcast %broadcast_in_dim3A_244 : vector<196x1xf32> to vector<196x196xf32>
    %div3A_246 = arith.divf %exp3A_241, %div3A_245 : vector<196x196xf32>
    %reduce_sum3A_247 = arith.constant dense<0.000000e+00> : vector<196xf32>
    %reduce_sum3A_248 = vector.multi_reduction <add>, %div3A_246, %reduce_sum3A_247 [0] : vector<196x196xf32> to vector<196xf32>
    %concatenate3A_249 = tpu.concatenate %reduce_sum3A_248, %broadcast_in_dim3A_2 in 0 : vector<196xf32>, vector<12xf32> -> vector<208xf32>
    %swap3A_250 = arith.constant 0 : index
    %swap3A_251 = arith.constant 8 : index
    %swap3A_252 = arith.constant 0 : index
    %swap3A_253 = vector.load %arg4[%swap3A_250, %swap3A_251, %swap3A_252] : memref<1x16x208xf32, #tpu.memory_space<vmem>>, vector<1x1x208xf32>
    %swap3A_254 = vector.shape_cast %swap3A_253 : vector<1x1x208xf32> to vector<208xf32>
    %swap3A_255 = vector.shape_cast %concatenate3A_249 : vector<208xf32> to vector<1x1x208xf32>
    tpu.vector_store %arg4[%swap3A_250, %swap3A_251, %swap3A_252], %swap3A_255 {strides = array<i32>} : memref<1x16x208xf32, #tpu.memory_space<vmem>>, vector<1x1x208xf32>,
    %slice3A_256 = vector.extract_strided_slice %reshape3A_12 {offsets = [0, 9, 0], sizes = [196, 1, 8], strides = [1, 1, 1]} : vector<196x16x8xf32> to vector<196x1x8xf32>
    %squeeze3A_257 = vector.shape_cast %slice3A_256 : vector<196x1x8xf32> to vector<196x8xf32>
    %slice3A_258 = vector.extract_strided_slice %squeeze3A_257 {offsets = [0, 0], sizes = [196, 4], strides = [1, 1]} : vector<196x8xf32> to vector<196x4xf32>
    %slice3A_259 = vector.extract_strided_slice %squeeze3A_257 {offsets = [0, 4], sizes = [196, 4], strides = [1, 1]} : vector<196x8xf32> to vector<196x4xf32>
    %dot_general3A_260 = arith.constant dense<0.000000e+00> : vector<196x196xf32>
    %dot_general3A_261 = tpu.matmul %slice3A_258, %slice3A_259, %dot_general3A_260 {dimension_numbers = #tpu.dot_dimension_numbers<[1], [1], [0], [0], [0, 0, 1, 0], [], []>, transpose_lhs_hint = false} : vector<196x4xf32>, vector<196x4xf32>, vector<196x196xf32> -> vector<196x196xf32>
    %mul3A_262 = vector.broadcast %div3A_1 : f32 to vector<196x196xf32>
    %mul3A_263 = arith.mulf %dot_general3A_261, %mul3A_262 : vector<196x196xf32>
    %reduce_max3A_264 = arith.constant dense<0xFF800000> : vector<196xf32>
    %reduce_max3A_265 = vector.multi_reduction <maximumf>, %mul3A_263, %reduce_max3A_264 [1] : vector<196x196xf32> to vector<196xf32>
    %broadcast_in_dim3A_266 = vector.shape_cast %reduce_max3A_265 : vector<196xf32> to vector<196x1xf32>
    %sub3A_267 = vector.broadcast %broadcast_in_dim3A_266 : vector<196x1xf32> to vector<196x196xf32>
    %sub3A_268 = arith.subf %mul3A_263, %sub3A_267 : vector<196x196xf32>
    %exp3A_269 = math.exp %sub3A_268 : vector<196x196xf32>
    %reduce_sum3A_270 = arith.constant dense<0.000000e+00> : vector<196xf32>
    %reduce_sum3A_271 = vector.multi_reduction <add>, %exp3A_269, %reduce_sum3A_270 [1] : vector<196x196xf32> to vector<196xf32>
    %broadcast_in_dim3A_272 = vector.shape_cast %reduce_sum3A_271 : vector<196xf32> to vector<196x1xf32>
    %div3A_273 = vector.broadcast %broadcast_in_dim3A_272 : vector<196x1xf32> to vector<196x196xf32>
    %div3A_274 = arith.divf %exp3A_269, %div3A_273 : vector<196x196xf32>
    %reduce_sum3A_275 = arith.constant dense<0.000000e+00> : vector<196xf32>
    %reduce_sum3A_276 = vector.multi_reduction <add>, %div3A_274, %reduce_sum3A_275 [0] : vector<196x196xf32> to vector<196xf32>
    %concatenate3A_277 = tpu.concatenate %reduce_sum3A_276, %broadcast_in_dim3A_2 in 0 : vector<196xf32>, vector<12xf32> -> vector<208xf32>
    %swap3A_278 = arith.constant 0 : index
    %swap3A_279 = arith.constant 9 : index
    %swap3A_280 = arith.constant 0 : index
    %swap3A_281 = vector.load %arg4[%swap3A_278, %swap3A_279, %swap3A_280] : memref<1x16x208xf32, #tpu.memory_space<vmem>>, vector<1x1x208xf32>
    %swap3A_282 = vector.shape_cast %swap3A_281 : vector<1x1x208xf32> to vector<208xf32>
    %swap3A_283 = vector.shape_cast %concatenate3A_277 : vector<208xf32> to vector<1x1x208xf32>
    tpu.vector_store %arg4[%swap3A_278, %swap3A_279, %swap3A_280], %swap3A_283 {strides = array<i32>} : memref<1x16x208xf32, #tpu.memory_space<vmem>>, vector<1x1x208xf32>,
    %slice3A_284 = vector.extract_strided_slice %reshape3A_12 {offsets = [0, 10, 0], sizes = [196, 1, 8], strides = [1, 1, 1]} : vector<196x16x8xf32> to vector<196x1x8xf32>
    %squeeze3A_285 = vector.shape_cast %slice3A_284 : vector<196x1x8xf32> to vector<196x8xf32>
    %slice3A_286 = vector.extract_strided_slice %squeeze3A_285 {offsets = [0, 0], sizes = [196, 4], strides = [1, 1]} : vector<196x8xf32> to vector<196x4xf32>
    %slice3A_287 = vector.extract_strided_slice %squeeze3A_285 {offsets = [0, 4], sizes = [196, 4], strides = [1, 1]} : vector<196x8xf32> to vector<196x4xf32>
    %dot_general3A_288 = arith.constant dense<0.000000e+00> : vector<196x196xf32>
    %dot_general3A_289 = tpu.matmul %slice3A_286, %slice3A_287, %dot_general3A_288 {dimension_numbers = #tpu.dot_dimension_numbers<[1], [1], [0], [0], [0, 0, 1, 0], [], []>, transpose_lhs_hint = false} : vector<196x4xf32>, vector<196x4xf32>, vector<196x196xf32> -> vector<196x196xf32>
    %mul3A_290 = vector.broadcast %div3A_1 : f32 to vector<196x196xf32>
    %mul3A_291 = arith.mulf %dot_general3A_289, %mul3A_290 : vector<196x196xf32>
    %reduce_max3A_292 = arith.constant dense<0xFF800000> : vector<196xf32>
    %reduce_max3A_293 = vector.multi_reduction <maximumf>, %mul3A_291, %reduce_max3A_292 [1] : vector<196x196xf32> to vector<196xf32>
    %broadcast_in_dim3A_294 = vector.shape_cast %reduce_max3A_293 : vector<196xf32> to vector<196x1xf32>
    %sub3A_295 = vector.broadcast %broadcast_in_dim3A_294 : vector<196x1xf32> to vector<196x196xf32>
    %sub3A_296 = arith.subf %mul3A_291, %sub3A_295 : vector<196x196xf32>
    %exp3A_297 = math.exp %sub3A_296 : vector<196x196xf32>
    %reduce_sum3A_298 = arith.constant dense<0.000000e+00> : vector<196xf32>
    %reduce_sum3A_299 = vector.multi_reduction <add>, %exp3A_297, %reduce_sum3A_298 [1] : vector<196x196xf32> to vector<196xf32>
    %broadcast_in_dim3A_300 = vector.shape_cast %reduce_sum3A_299 : vector<196xf32> to vector<196x1xf32>
    %div3A_301 = vector.broadcast %broadcast_in_dim3A_300 : vector<196x1xf32> to vector<196x196xf32>
    %div3A_302 = arith.divf %exp3A_297, %div3A_301 : vector<196x196xf32>
    %reduce_sum3A_303 = arith.constant dense<0.000000e+00> : vector<196xf32>
    %reduce_sum3A_304 = vector.multi_reduction <add>, %div3A_302, %reduce_sum3A_303 [0] : vector<196x196xf32> to vector<196xf32>
    %concatenate3A_305 = tpu.concatenate %reduce_sum3A_304, %broadcast_in_dim3A_2 in 0 : vector<196xf32>, vector<12xf32> -> vector<208xf32>
    %swap3A_306 = arith.constant 0 : index
    %swap3A_307 = arith.constant 10 : index
    %swap3A_308 = arith.constant 0 : index
    %swap3A_309 = vector.load %arg4[%swap3A_306, %swap3A_307, %swap3A_308] : memref<1x16x208xf32, #tpu.memory_space<vmem>>, vector<1x1x208xf32>
    %swap3A_310 = vector.shape_cast %swap3A_309 : vector<1x1x208xf32> to vector<208xf32>
    %swap3A_311 = vector.shape_cast %concatenate3A_305 : vector<208xf32> to vector<1x1x208xf32>
    tpu.vector_store %arg4[%swap3A_306, %swap3A_307, %swap3A_308], %swap3A_311 {strides = array<i32>} : memref<1x16x208xf32, #tpu.memory_space<vmem>>, vector<1x1x208xf32>,
    %slice3A_312 = vector.extract_strided_slice %reshape3A_12 {offsets = [0, 11, 0], sizes = [196, 1, 8], strides = [1, 1, 1]} : vector<196x16x8xf32> to vector<196x1x8xf32>
    %squeeze3A_313 = vector.shape_cast %slice3A_312 : vector<196x1x8xf32> to vector<196x8xf32>
    %slice3A_314 = vector.extract_strided_slice %squeeze3A_313 {offsets = [0, 0], sizes = [196, 4], strides = [1, 1]} : vector<196x8xf32> to vector<196x4xf32>
    %slice3A_315 = vector.extract_strided_slice %squeeze3A_313 {offsets = [0, 4], sizes = [196, 4], strides = [1, 1]} : vector<196x8xf32> to vector<196x4xf32>
    %dot_general3A_316 = arith.constant dense<0.000000e+00> : vector<196x196xf32>
    %dot_general3A_317 = tpu.matmul %slice3A_314, %slice3A_315, %dot_general3A_316 {dimension_numbers = #tpu.dot_dimension_numbers<[1], [1], [0], [0], [0, 0, 1, 0], [], []>, transpose_lhs_hint = false} : vector<196x4xf32>, vector<196x4xf32>, vector<196x196xf32> -> vector<196x196xf32>
    %mul3A_318 = vector.broadcast %div3A_1 : f32 to vector<196x196xf32>
    %mul3A_319 = arith.mulf %dot_general3A_317, %mul3A_318 : vector<196x196xf32>
    %reduce_max3A_320 = arith.constant dense<0xFF800000> : vector<196xf32>
    %reduce_max3A_321 = vector.multi_reduction <maximumf>, %mul3A_319, %reduce_max3A_320 [1] : vector<196x196xf32> to vector<196xf32>
    %broadcast_in_dim3A_322 = vector.shape_cast %reduce_max3A_321 : vector<196xf32> to vector<196x1xf32>
    %sub3A_323 = vector.broadcast %broadcast_in_dim3A_322 : vector<196x1xf32> to vector<196x196xf32>
    %sub3A_324 = arith.subf %mul3A_319, %sub3A_323 : vector<196x196xf32>
    %exp3A_325 = math.exp %sub3A_324 : vector<196x196xf32>
    %reduce_sum3A_326 = arith.constant dense<0.000000e+00> : vector<196xf32>
    %reduce_sum3A_327 = vector.multi_reduction <add>, %exp3A_325, %reduce_sum3A_326 [1] : vector<196x196xf32> to vector<196xf32>
    %broadcast_in_dim3A_328 = vector.shape_cast %reduce_sum3A_327 : vector<196xf32> to vector<196x1xf32>
    %div3A_329 = vector.broadcast %broadcast_in_dim3A_328 : vector<196x1xf32> to vector<196x196xf32>
    %div3A_330 = arith.divf %exp3A_325, %div3A_329 : vector<196x196xf32>
    %reduce_sum3A_331 = arith.constant dense<0.000000e+00> : vector<196xf32>
    %reduce_sum3A_332 = vector.multi_reduction <add>, %div3A_330, %reduce_sum3A_331 [0] : vector<196x196xf32> to vector<196xf32>
    %concatenate3A_333 = tpu.concatenate %reduce_sum3A_332, %broadcast_in_dim3A_2 in 0 : vector<196xf32>, vector<12xf32> -> vector<208xf32>
    %swap3A_334 = arith.constant 0 : index
    %swap3A_335 = arith.constant 11 : index
    %swap3A_336 = arith.constant 0 : index
    %swap3A_337 = vector.load %arg4[%swap3A_334, %swap3A_335, %swap3A_336] : memref<1x16x208xf32, #tpu.memory_space<vmem>>, vector<1x1x208xf32>
    %swap3A_338 = vector.shape_cast %swap3A_337 : vector<1x1x208xf32> to vector<208xf32>
    %swap3A_339 = vector.shape_cast %concatenate3A_333 : vector<208xf32> to vector<1x1x208xf32>
    tpu.vector_store %arg4[%swap3A_334, %swap3A_335, %swap3A_336], %swap3A_339 {strides = array<i32>} : memref<1x16x208xf32, #tpu.memory_space<vmem>>, vector<1x1x208xf32>,
    %slice3A_340 = vector.extract_strided_slice %reshape3A_12 {offsets = [0, 12, 0], sizes = [196, 1, 8], strides = [1, 1, 1]} : vector<196x16x8xf32> to vector<196x1x8xf32>
    %squeeze3A_341 = vector.shape_cast %slice3A_340 : vector<196x1x8xf32> to vector<196x8xf32>
    %slice3A_342 = vector.extract_strided_slice %squeeze3A_341 {offsets = [0, 0], sizes = [196, 4], strides = [1, 1]} : vector<196x8xf32> to vector<196x4xf32>
    %slice3A_343 = vector.extract_strided_slice %squeeze3A_341 {offsets = [0, 4], sizes = [196, 4], strides = [1, 1]} : vector<196x8xf32> to vector<196x4xf32>
    %dot_general3A_344 = arith.constant dense<0.000000e+00> : vector<196x196xf32>
    %dot_general3A_345 = tpu.matmul %slice3A_342, %slice3A_343, %dot_general3A_344 {dimension_numbers = #tpu.dot_dimension_numbers<[1], [1], [0], [0], [0, 0, 1, 0], [], []>, transpose_lhs_hint = false} : vector<196x4xf32>, vector<196x4xf32>, vector<196x196xf32> -> vector<196x196xf32>
    %mul3A_346 = vector.broadcast %div3A_1 : f32 to vector<196x196xf32>
    %mul3A_347 = arith.mulf %dot_general3A_345, %mul3A_346 : vector<196x196xf32>
    %reduce_max3A_348 = arith.constant dense<0xFF800000> : vector<196xf32>
    %reduce_max3A_349 = vector.multi_reduction <maximumf>, %mul3A_347, %reduce_max3A_348 [1] : vector<196x196xf32> to vector<196xf32>
    %broadcast_in_dim3A_350 = vector.shape_cast %reduce_max3A_349 : vector<196xf32> to vector<196x1xf32>
    %sub3A_351 = vector.broadcast %broadcast_in_dim3A_350 : vector<196x1xf32> to vector<196x196xf32>
    %sub3A_352 = arith.subf %mul3A_347, %sub3A_351 : vector<196x196xf32>
    %exp3A_353 = math.exp %sub3A_352 : vector<196x196xf32>
    %reduce_sum3A_354 = arith.constant dense<0.000000e+00> : vector<196xf32>
    %reduce_sum3A_355 = vector.multi_reduction <add>, %exp3A_353, %reduce_sum3A_354 [1] : vector<196x196xf32> to vector<196xf32>
    %broadcast_in_dim3A_356 = vector.shape_cast %reduce_sum3A_355 : vector<196xf32> to vector<196x1xf32>
    %div3A_357 = vector.broadcast %broadcast_in_dim3A_356 : vector<196x1xf32> to vector<196x196xf32>
    %div3A_358 = arith.divf %exp3A_353, %div3A_357 : vector<196x196xf32>
    %reduce_sum3A_359 = arith.constant dense<0.000000e+00> : vector<196xf32>
    %reduce_sum3A_360 = vector.multi_reduction <add>, %div3A_358, %reduce_sum3A_359 [0] : vector<196x196xf32> to vector<196xf32>
    %concatenate3A_361 = tpu.concatenate %reduce_sum3A_360, %broadcast_in_dim3A_2 in 0 : vector<196xf32>, vector<12xf32> -> vector<208xf32>
    %swap3A_362 = arith.constant 0 : index
    %swap3A_363 = arith.constant 12 : index
    %swap3A_364 = arith.constant 0 : index
    %swap3A_365 = vector.load %arg4[%swap3A_362, %swap3A_363, %swap3A_364] : memref<1x16x208xf32, #tpu.memory_space<vmem>>, vector<1x1x208xf32>
    %swap3A_366 = vector.shape_cast %swap3A_365 : vector<1x1x208xf32> to vector<208xf32>
    %swap3A_367 = vector.shape_cast %concatenate3A_361 : vector<208xf32> to vector<1x1x208xf32>
    tpu.vector_store %arg4[%swap3A_362, %swap3A_363, %swap3A_364], %swap3A_367 {strides = array<i32>} : memref<1x16x208xf32, #tpu.memory_space<vmem>>, vector<1x1x208xf32>,
    %slice3A_368 = vector.extract_strided_slice %reshape3A_12 {offsets = [0, 13, 0], sizes = [196, 1, 8], strides = [1, 1, 1]} : vector<196x16x8xf32> to vector<196x1x8xf32>
    %squeeze3A_369 = vector.shape_cast %slice3A_368 : vector<196x1x8xf32> to vector<196x8xf32>
    %slice3A_370 = vector.extract_strided_slice %squeeze3A_369 {offsets = [0, 0], sizes = [196, 4], strides = [1, 1]} : vector<196x8xf32> to vector<196x4xf32>
    %slice3A_371 = vector.extract_strided_slice %squeeze3A_369 {offsets = [0, 4], sizes = [196, 4], strides = [1, 1]} : vector<196x8xf32> to vector<196x4xf32>
    %dot_general3A_372 = arith.constant dense<0.000000e+00> : vector<196x196xf32>
    %dot_general3A_373 = tpu.matmul %slice3A_370, %slice3A_371, %dot_general3A_372 {dimension_numbers = #tpu.dot_dimension_numbers<[1], [1], [0], [0], [0, 0, 1, 0], [], []>, transpose_lhs_hint = false} : vector<196x4xf32>, vector<196x4xf32>, vector<196x196xf32> -> vector<196x196xf32>
    %mul3A_374 = vector.broadcast %div3A_1 : f32 to vector<196x196xf32>
    %mul3A_375 = arith.mulf %dot_general3A_373, %mul3A_374 : vector<196x196xf32>
    %reduce_max3A_376 = arith.constant dense<0xFF800000> : vector<196xf32>
    %reduce_max3A_377 = vector.multi_reduction <maximumf>, %mul3A_375, %reduce_max3A_376 [1] : vector<196x196xf32> to vector<196xf32>
    %broadcast_in_dim3A_378 = vector.shape_cast %reduce_max3A_377 : vector<196xf32> to vector<196x1xf32>
    %sub3A_379 = vector.broadcast %broadcast_in_dim3A_378 : vector<196x1xf32> to vector<196x196xf32>
    %sub3A_380 = arith.subf %mul3A_375, %sub3A_379 : vector<196x196xf32>
    %exp3A_381 = math.exp %sub3A_380 : vector<196x196xf32>
    %reduce_sum3A_382 = arith.constant dense<0.000000e+00> : vector<196xf32>
    %reduce_sum3A_383 = vector.multi_reduction <add>, %exp3A_381, %reduce_sum3A_382 [1] : vector<196x196xf32> to vector<196xf32>
    %broadcast_in_dim3A_384 = vector.shape_cast %reduce_sum3A_383 : vector<196xf32> to vector<196x1xf32>
    %div3A_385 = vector.broadcast %broadcast_in_dim3A_384 : vector<196x1xf32> to vector<196x196xf32>
    %div3A_386 = arith.divf %exp3A_381, %div3A_385 : vector<196x196xf32>
    %reduce_sum3A_387 = arith.constant dense<0.000000e+00> : vector<196xf32>
    %reduce_sum3A_388 = vector.multi_reduction <add>, %div3A_386, %reduce_sum3A_387 [0] : vector<196x196xf32> to vector<196xf32>
    %concatenate3A_389 = tpu.concatenate %reduce_sum3A_388, %broadcast_in_dim3A_2 in 0 : vector<196xf32>, vector<12xf32> -> vector<208xf32>
    %swap3A_390 = arith.constant 0 : index
    %swap3A_391 = arith.constant 13 : index
    %swap3A_392 = arith.constant 0 : index
    %swap3A_393 = vector.load %arg4[%swap3A_390, %swap3A_391, %swap3A_392] : memref<1x16x208xf32, #tpu.memory_space<vmem>>, vector<1x1x208xf32>
    %swap3A_394 = vector.shape_cast %swap3A_393 : vector<1x1x208xf32> to vector<208xf32>
    %swap3A_395 = vector.shape_cast %concatenate3A_389 : vector<208xf32> to vector<1x1x208xf32>
    tpu.vector_store %arg4[%swap3A_390, %swap3A_391, %swap3A_392], %swap3A_395 {strides = array<i32>} : memref<1x16x208xf32, #tpu.memory_space<vmem>>, vector<1x1x208xf32>,
    %slice3A_396 = vector.extract_strided_slice %reshape3A_12 {offsets = [0, 14, 0], sizes = [196, 1, 8], strides = [1, 1, 1]} : vector<196x16x8xf32> to vector<196x1x8xf32>
    %squeeze3A_397 = vector.shape_cast %slice3A_396 : vector<196x1x8xf32> to vector<196x8xf32>
    %slice3A_398 = vector.extract_strided_slice %squeeze3A_397 {offsets = [0, 0], sizes = [196, 4], strides = [1, 1]} : vector<196x8xf32> to vector<196x4xf32>
    %slice3A_399 = vector.extract_strided_slice %squeeze3A_397 {offsets = [0, 4], sizes = [196, 4], strides = [1, 1]} : vector<196x8xf32> to vector<196x4xf32>
    %dot_general3A_400 = arith.constant dense<0.000000e+00> : vector<196x196xf32>
    %dot_general3A_401 = tpu.matmul %slice3A_398, %slice3A_399, %dot_general3A_400 {dimension_numbers = #tpu.dot_dimension_numbers<[1], [1], [0], [0], [0, 0, 1, 0], [], []>, transpose_lhs_hint = false} : vector<196x4xf32>, vector<196x4xf32>, vector<196x196xf32> -> vector<196x196xf32>
    %mul3A_402 = vector.broadcast %div3A_1 : f32 to vector<196x196xf32>
    %mul3A_403 = arith.mulf %dot_general3A_401, %mul3A_402 : vector<196x196xf32>
    %reduce_max3A_404 = arith.constant dense<0xFF800000> : vector<196xf32>
    %reduce_max3A_405 = vector.multi_reduction <maximumf>, %mul3A_403, %reduce_max3A_404 [1] : vector<196x196xf32> to vector<196xf32>
    %broadcast_in_dim3A_406 = vector.shape_cast %reduce_max3A_405 : vector<196xf32> to vector<196x1xf32>
    %sub3A_407 = vector.broadcast %broadcast_in_dim3A_406 : vector<196x1xf32> to vector<196x196xf32>
    %sub3A_408 = arith.subf %mul3A_403, %sub3A_407 : vector<196x196xf32>
    %exp3A_409 = math.exp %sub3A_408 : vector<196x196xf32>
    %reduce_sum3A_410 = arith.constant dense<0.000000e+00> : vector<196xf32>
    %reduce_sum3A_411 = vector.multi_reduction <add>, %exp3A_409, %reduce_sum3A_410 [1] : vector<196x196xf32> to vector<196xf32>
    %broadcast_in_dim3A_412 = vector.shape_cast %reduce_sum3A_411 : vector<196xf32> to vector<196x1xf32>
    %div3A_413 = vector.broadcast %broadcast_in_dim3A_412 : vector<196x1xf32> to vector<196x196xf32>
    %div3A_414 = arith.divf %exp3A_409, %div3A_413 : vector<196x196xf32>
    %reduce_sum3A_415 = arith.constant dense<0.000000e+00> : vector<196xf32>
    %reduce_sum3A_416 = vector.multi_reduction <add>, %div3A_414, %reduce_sum3A_415 [0] : vector<196x196xf32> to vector<196xf32>
    %concatenate3A_417 = tpu.concatenate %reduce_sum3A_416, %broadcast_in_dim3A_2 in 0 : vector<196xf32>, vector<12xf32> -> vector<208xf32>
    %swap3A_418 = arith.constant 0 : index
    %swap3A_419 = arith.constant 14 : index
    %swap3A_420 = arith.constant 0 : index
    %swap3A_421 = vector.load %arg4[%swap3A_418, %swap3A_419, %swap3A_420] : memref<1x16x208xf32, #tpu.memory_space<vmem>>, vector<1x1x208xf32>
    %swap3A_422 = vector.shape_cast %swap3A_421 : vector<1x1x208xf32> to vector<208xf32>
    %swap3A_423 = vector.shape_cast %concatenate3A_417 : vector<208xf32> to vector<1x1x208xf32>
    tpu.vector_store %arg4[%swap3A_418, %swap3A_419, %swap3A_420], %swap3A_423 {strides = array<i32>} : memref<1x16x208xf32, #tpu.memory_space<vmem>>, vector<1x1x208xf32>,
    %slice3A_424 = vector.extract_strided_slice %reshape3A_12 {offsets = [0, 15, 0], sizes = [196, 1, 8], strides = [1, 1, 1]} : vector<196x16x8xf32> to vector<196x1x8xf32>
    %squeeze3A_425 = vector.shape_cast %slice3A_424 : vector<196x1x8xf32> to vector<196x8xf32>
    %slice3A_426 = vector.extract_strided_slice %squeeze3A_425 {offsets = [0, 0], sizes = [196, 4], strides = [1, 1]} : vector<196x8xf32> to vector<196x4xf32>
    %slice3A_427 = vector.extract_strided_slice %squeeze3A_425 {offsets = [0, 4], sizes = [196, 4], strides = [1, 1]} : vector<196x8xf32> to vector<196x4xf32>
    %dot_general3A_428 = arith.constant dense<0.000000e+00> : vector<196x196xf32>
    %dot_general3A_429 = tpu.matmul %slice3A_426, %slice3A_427, %dot_general3A_428 {dimension_numbers = #tpu.dot_dimension_numbers<[1], [1], [0], [0], [0, 0, 1, 0], [], []>, transpose_lhs_hint = false} : vector<196x4xf32>, vector<196x4xf32>, vector<196x196xf32> -> vector<196x196xf32>
    %mul3A_430 = vector.broadcast %div3A_1 : f32 to vector<196x196xf32>
    %mul3A_431 = arith.mulf %dot_general3A_429, %mul3A_430 : vector<196x196xf32>
    %reduce_max3A_432 = arith.constant dense<0xFF800000> : vector<196xf32>
    %reduce_max3A_433 = vector.multi_reduction <maximumf>, %mul3A_431, %reduce_max3A_432 [1] : vector<196x196xf32> to vector<196xf32>
    %broadcast_in_dim3A_434 = vector.shape_cast %reduce_max3A_433 : vector<196xf32> to vector<196x1xf32>
    %sub3A_435 = vector.broadcast %broadcast_in_dim3A_434 : vector<196x1xf32> to vector<196x196xf32>
    %sub3A_436 = arith.subf %mul3A_431, %sub3A_435 : vector<196x196xf32>
    %exp3A_437 = math.exp %sub3A_436 : vector<196x196xf32>
    %reduce_sum3A_438 = arith.constant dense<0.000000e+00> : vector<196xf32>
    %reduce_sum3A_439 = vector.multi_reduction <add>, %exp3A_437, %reduce_sum3A_438 [1] : vector<196x196xf32> to vector<196xf32>
    %broadcast_in_dim3A_440 = vector.shape_cast %reduce_sum3A_439 : vector<196xf32> to vector<196x1xf32>
    %div3A_441 = vector.broadcast %broadcast_in_dim3A_440 : vector<196x1xf32> to vector<196x196xf32>
    %div3A_442 = arith.divf %exp3A_437, %div3A_441 : vector<196x196xf32>
    %reduce_sum3A_443 = arith.constant dense<0.000000e+00> : vector<196xf32>
    %reduce_sum3A_444 = vector.multi_reduction <add>, %div3A_442, %reduce_sum3A_443 [0] : vector<196x196xf32> to vector<196xf32>
    %concatenate3A_445 = tpu.concatenate %reduce_sum3A_444, %broadcast_in_dim3A_2 in 0 : vector<196xf32>, vector<12xf32> -> vector<208xf32>
    %swap3A_446 = arith.constant 0 : index
    %swap3A_447 = arith.constant 15 : index
    %swap3A_448 = arith.constant 0 : index
    %swap3A_449 = vector.load %arg4[%swap3A_446, %swap3A_447, %swap3A_448] : memref<1x16x208xf32, #tpu.memory_space<vmem>>, vector<1x1x208xf32>
    %swap3A_450 = vector.shape_cast %swap3A_449 : vector<1x1x208xf32> to vector<208xf32>
    %swap3A_451 = vector.shape_cast %concatenate3A_445 : vector<208xf32> to vector<1x1x208xf32>
    tpu.vector_store %arg4[%swap3A_446, %swap3A_447, %swap3A_448], %swap3A_451 {strides = array<i32>} : memref<1x16x208xf32, #tpu.memory_space<vmem>>, vector<1x1x208xf32>,
    return
  }
  func.func @transform_0(%arg0: i32, %arg1: i32) -> (i32, i32, i32, i32) {
    %c0_i32 = arith.constant 0 : i32
    %c0_i32_0 = arith.constant 0 : i32
    %c0_i32_1 = arith.constant 0 : i32
    return %arg0, %c0_i32, %arg1, %c0_i32_0 : i32, i32, i32, i32
  }
  func.func @transform_1(%arg0: i32, %arg1: i32) -> (i32, i32) {
    %c0_i32 = arith.constant 0 : i32
    %c0_i32_0 = arith.constant 0 : i32
    %c0_i32_1 = arith.constant 0 : i32
    return %c0_i32, %c0_i32_0 : i32, i32
  }
  func.func @transform_2(%arg0: i32, %arg1: i32) -> (i32, i32, i32) {
    %c0_i32 = arith.constant 0 : i32
    %c0_i32_0 = arith.constant 0 : i32
    return %arg0, %arg1, %c0_i32 : i32, i32, i32
  }
}

</mosaic_0001>

<sc_bundles>
// kernel: kernel.4.cloned.1.call-start
scs
__scs_entry_jumppad:
0x0: {  	(pc) =	sbr.rel $0x88, $3  }
0x1: {  	(tag) =	ssettag $0x0;
	lr =	simm.s32 $0x1  }
0x2: {  	[smem:$0x3F9E] =	sst lr;
	_ =	strace $0xD0000000  }
0x3: {  	_ = 	snop  }
0x4: {  	_ = 	snop  }
0x5: {  	_ = 	snop  }
0x6: {  	_ = 	snop  }
0x7: {  	_ = 	snop  }
__scs_overlays_trampoline_lowered:
0x8: {  	[smem:$0x3FAD] =	sst s0  }
0x9: {  	[smem:$0x3FAE] =	sst s1  }
0xa: {  	[smem:$0x3FAF] =	sst s2  }
0xb: {  	[smem:$0x3FB0] =	sst s3  }
0xc: {  	[smem:$0x3FB1] =	sst s4  }
0xd: {  	[smem:$0x3FB2] =	sst s5  }
0xe: {  	[smem:$0x3FB3] =	sst s6  }
0xf: {  	[smem:$0x3FB4] =	sst s7  }
0x10: {  	[smem:$0x3FB5] =	sst s8  }
0x11: {  	[smem:$0x3FB6] =	sst s9;
	s0 =	simm.s32 @!p0 $0x0  }
0x12: {  	s1 =	sld [smem:$0x3F9C];
	s0 =	simm.s32 @p0 $0x1  }
0x13: {  	[smem:$0x3FB7] =	sst s0;
	s0 =	simm.s32 @!p1 $0x0  }
0x14: {  	s2 =	sld [smem:$0x3F9B];
	s0 =	simm.s32 @p1 $0x1  }
0x15: {  	[smem:$0x3FB8] =	sst s0;
	s0 =	simm.s32 @!p2 $0x0  }
0x16: {  	s3 =	sld [smem:$0x3FDB];
	s0 =	simm.s32 @p2 $0x1  }
0x17: {  	s4 =	simm.s32 $0x1BF5;
	[smem:$0x3FBA] =	sst s0  }
0x18: {  	s0 =	sld [smem:$0x3F9D];
	_ =	swait.ge [sflag:s4], $0x0  }
0x19: {  	s7 =	sld [smem:$0x3F9E]  }
0x1a: {  	s8 =	sadd.s32 $0xFFFFE003, lr  }
0x1b: {  	s9 =	sadd.s32 $0xFFFFFEF7, lr;
	s5 =	simm.s32 $0xFFFFFFFF;
	p2 =	slt.u32 s8, $0xFFFFF086  }
0x1c: {  	p1 =	slt.u32 s9, $0xF7A;
	s5 =	simm.s32 @!p2 $0x0  }
0x1d: {  	s5 =	simm.s32 @p1 $0x1;
	p0 =	seq.s32 s7, s2  }
0x1e: {  	s7 =	smul.u32 @!p0 $0xF7A, s2;
	p2 =	seq.s32 @!p0 s5, $0x0  }
0x1f: {  	s9 =	smul.u32 $0xF7A, s1;
	s8 =	simm.s32 @!p0 $0x1BF5;
	p2 =	por !p2, p0  }
0x20: {  	[sflag:s8] =	ssyncset.s32 @!p0 $0xFFFFF086;
	s6 =	sadd.s32 @!p0 s3, s7;
	s7 =	simm.s32 @!p0 $0x108  }
0x21: {  	s3 =	sadd.s32 s3, s9;
	s6 =	sadd.s32 @!p0 $0x88, s6;
	s7 =	simm.s32 @p2 $0x1082  }
0x22: {  	[simem:s7], [sflag:s8] =	dma.local @!p0 [hbm:s6], $0xF7A  }
0x23: {  	s9 =	sor.u32 $0xD0000000, s2;
	s6 =	simm.s32 $0x108;
	_ =	swait.ge @!p0 [sflag:s8], $0x0  }
0x24: {  	s3 =	sadd.s32 $0x88, s3;
	s6 =	simm.s32 @!p1 $0x1082;
	[sflag:s4] =	ssyncset.s32 $0xFFFFF086  }
0x25: {  	[simem:s6], [sflag:s4] =	dma.local [hbm:s3], $0xF7A  }
0x26: {  	[smem:$0x3F9E] =	sst s1;
	(tag) =	ssettag s2;
	_ =	strace s9  }
0x27: {  	s1 =	sld [smem:$0x3FAE]  }
0x28: {  	s2 =	sld [smem:$0x3FAF]  }
0x29: {  	s4 =	sld [smem:$0x3FB1]  }
0x2a: {  	p0 =	seq.s32 s5, $0x0;
	s5 =	sld [smem:$0x3FB2]  }
0x2b: {  	s6 =	sld [smem:$0x3FB3]  }
0x2c: {  	s7 =	sld [smem:$0x3FB4]  }
0x2d: {  	s3 =	simm.s32 $0x108;
	s8 =	sld [smem:$0x3FB5]  }
0x2e: {  	s3 =	simm.s32 @!p0 $0x1082;
	s9 =	sld [smem:$0x3FB6]  }
0x2f: {  	lr =	sadd.s32 s0, s3;
	s0 =	sld [smem:$0x3FAD]  }
0x30: {  	s3 =	sld [smem:$0x3FB0]  }
0x31: {  	[smem:$0x3FB9] =	sst s10  }
0x32: {  	s10 =	sld [smem:$0x3FB7];
	_ =	sdelay $0x3  }
0x33: {  	p0 =	seq.s32 s10, $0x1;
	s10 =	sld [smem:$0x3FB9];
	_ =	sdelay $0x3  }
0x34: {  	[smem:$0x3FB9] =	sst s10  }
0x35: {  	s10 =	sld [smem:$0x3FB8];
	_ =	sdelay $0x3  }
0x36: {  	p1 =	seq.s32 s10, $0x1;
	s10 =	sld [smem:$0x3FB9];
	_ =	sdelay $0x3  }
0x37: {  	[smem:$0x3FB9] =	sst s10  }
0x38: {  	s10 =	sld [smem:$0x3FBA]  }
0x39: {  	_ = 	snop;
	(pc) =	sbr.ind lr, $3  }
0x3a: {  	_ = 	snop  }
0x3b: {  	_ = 	snop  }
0x3c: {  	p2 =	seq.s32 s10, $0x1;
	s10 =	sld [smem:$0x3FB9]  }
0x3d: {  	_ =	shalt  }
0x3e: {  	_ =	shalt  }
0x3f: {  	_ =	shalt  }
0x40: {  	_ =	shalt  }
0x41: {  	_ =	shalt  }
0x42: {  	_ =	shalt  }
0x43: {  	_ =	shalt  }
0x44: {  	_ =	shalt  }
0x45: {  	_ =	shalt  }
0x46: {  	_ =	shalt  }
0x47: {  	_ =	shalt  }
0x48: {  	_ =	shalt  }
0x49: {  	_ =	shalt  }
0x4a: {  	_ =	shalt  }
0x4b: {  	_ =	shalt  }
0x4c: {  	_ =	shalt  }
0x4d: {  	_ =	shalt  }
0x4e: {  	_ =	shalt  }
0x4f: {  	_ =	shalt  }
0x50: {  	_ =	shalt  }
0x51: {  	_ =	shalt  }
0x52: {  	_ =	shalt  }
0x53: {  	_ =	shalt  }
0x54: {  	_ =	shalt  }
0x55: {  	_ =	shalt  }
0x56: {  	_ =	shalt  }
0x57: {  	_ =	shalt  }
0x58: {  	_ =	shalt  }
0x59: {  	_ =	shalt  }
0x5a: {  	_ =	shalt  }
0x5b: {  	_ =	shalt  }
0x5c: {  	_ =	shalt  }
0x5d: {  	_ =	shalt  }
0x5e: {  	_ =	shalt  }
0x5f: {  	_ =	shalt  }
0x60: {  	_ =	shalt  }
0x61: {  	_ =	shalt  }
0x62: {  	_ =	shalt  }
0x63: {  	_ =	shalt  }
0x64: {  	_ =	shalt  }
0x65: {  	_ =	shalt  }
0x66: {  	_ =	shalt  }
0x67: {  	_ =	shalt  }
0x68: {  	_ =	shalt  }
0x69: {  	_ =	shalt  }
0x6a: {  	_ =	shalt  }
0x6b: {  	_ =	shalt  }
0x6c: {  	_ =	shalt  }
0x6d: {  	_ =	shalt  }
0x6e: {  	_ =	shalt  }
0x6f: {  	_ =	shalt  }
0x70: {  	_ =	shalt  }
0x71: {  	_ =	shalt  }
0x72: {  	_ =	shalt  }
0x73: {  	_ =	shalt  }
0x74: {  	_ =	shalt  }
0x75: {  	_ =	shalt  }
0x76: {  	_ =	shalt  }
0x77: {  	_ =	shalt  }
0x78: {  	_ =	shalt  }
0x79: {  	_ =	shalt  }
0x7a: {  	_ =	shalt  }
0x7b: {  	_ =	shalt  }
0x7c: {  	_ =	shalt  }
0x7d: {  	_ =	shalt  }
0x7e: {  	_ =	shalt  }
0x7f: {  	_ =	shalt  }
0x80: {  	_ =	shalt  }
0x81: {  	_ =	shalt  }
0x82: {  	_ =	shalt  }
0x83: {  	_ =	shalt  }
0x84: {  	_ =	shalt  }
0x85: {  	_ =	shalt  }
0x86: {  	_ =	shalt  }
0x87: {  	_ =	shalt  }
.Lfunc_end0:
.L_simem_size_0:
called_computation_lowered:
.L_overlay_start_0:
0x88: {  	s2 =	sld [smem:$0x3FD9]  }
0x89: {  	s3 =	sld [smem:$0x3FFE];
	_ =	sdelay $0x1  }
0x8a: {  	s1 =	srdreg.scid  }
0x8b: {  	s0 =	sand.u32 $0x1, s1  }
0x8c: {  	s16 =	sshll.u32 s0, $0xA;
	s2 =	sadd.s32 s3, s2  }
0x8d: {  	s2 =	sadd.s32 s2, s16  }
0x8e: {  	[smem:$0x3FC5] =	sst s2  }
0x8f: {  	_ = 	snop  }
0x90: {  	(tm) =	ssettm $0x1  }
0x91: {  	s17 =	sld [smem:$0x3FFB];
	_ =	sdelay $0x3  }
0x92: {  	_ =	strace s17  }
0x93: {  	s2 =	sld [smem:$0x3FFC];
	_ =	sdelay $0x3  }
0x94: {  	_ =	strace s2  }
0x95: {  	s2 =	sld [smem:$0x3FFD];
	_ =	sdelay $0x3  }
0x96: {  	_ =	strace s2  }
0x97: {  	_ =	strace $0x8FFFFFFF  }
0x98: {  	s18 =	sld [smem:$0x3FDB];
	_ =	sdelay $0x1  }
0x99: {  	s19 =	simm.s32 $_scs_section_size  }
0x9a: {  	s4 =	simm.s32 $_size__tile_overlayer_lowered;
	s5 =	simm.s32 $_tile_overlayer_lowered  }
0x9b: {  	s22 =	simm.s32 $0x1BFF;
	s21 =	sshll.u32 s5, $0x1;
	s2 =	sadd.s32 s19, s18  }
0x9c: {  	s6 =	simm.s32 $0x0;
	s20 =	sshll.u32 s4, $0x1;
	s4 =	sadd.s32 s21, s2  }
0x9d: {  	[timem:s6], [sflag:s22] =	dma.local [hbm:s4], s20  }
0x9e: {  	_ =	swait.ge [sflag:s22], s20  }
0x9f: {  	s3 =	ssub.s32 $0x0, s20;
	[sflag:s22] =	ssyncset.done $0x0  }
0xa0: {  	[sflag:s22] =	ssyncadd.s32 s3;
	_ =	sdelay $0x1  }
0xa1: {  	s23 =	simm.s32 $0x1B8B  }
0xa2: {  	_ =	swait.ge [sflag:s23], $0x1  }
0xa3: {  	[sflag:s23] =	ssyncset.done $0x0  }
0xa4: {  	s25 =	simm.s32 $0x1B8E;
	s24 =	sld [smem:$0x3FFE];
	[sflag:s23] =	ssyncadd.s32 $0xFFFFFFFF  }
0xa5: {  	s26 =	simm.s32 $execute0_lowered;
	[smem:$0x3FD2] =	sst s25  }
0xa6: {  	s4 =	sshll.u32 s26, $0x1;
	_ =	strace $0x80000046;
	[dreg:$0x1] =	wrdreg $0xFFFFFFFF  }
0xa7: {  	s28 =	simm.s32 $_size_execute0_lowered;
	s2 =	sadd.s32 s2, s4;
	[dreg:$0x0] =	wrdreg $0x0  }
0xa8: {  	s4 =	sshll.u32 s28, $0x1;
	[dreg:$0x2] =	wrdreg s2  }
0xa9: {  	[dreg:$0x3] =	wrdreg s4  }
0xaa: {  	[dreg:$0x4] =	wrdreg $0xC0  }
0xab: {  	_ =	task [dreg:s6], $0x5FFFF  }
0xac: {  	[dreg:$0x1] =	wrdreg $0xFFFFFFFF  }
0xad: {  	[dreg:$0x0] =	wrdreg $0x60  }
0xae: {  	[dreg:$0x2] =	wrdreg s24  }
0xaf: {  	[dreg:$0x3] =	wrdreg $0x9  }
0xb0: {  	_ =	task.clear_ibuf [dreg:s6], $0x4FFFF;
	_ =	strace $0x90000046  }
0xb1: {  	s29 =	simm.s32 $0x9;
	_ =	strace $0x80000048  }
0xb2: {  	_ =	swait.ge [sflag:s29], $0x1  }
0xb3: {  	[sflag:s29] =	ssyncadd.s32 $0xFFFFFFFF  }
0xb4: {  	_ =	strace $0x90000048  }
0xb5: {  	_ =	sfence  }
0xb6: {  	s30 =	sld [smem:$0x0];
	_ =	sdelay $0x2  }
0xb7: {  	s31 =	sshll.u32 s1, $0xD;
	s1 =	sshrl.u32 s1, $0x2  }
0xb8: {  	s3 =	sand.u32 $0x4000, s31;
	s1 =	sadd.s32 s1, s30  }
0xb9: {  	s0 =	sor.u32 s3, s0;
	s1 =	sshll.u32 s1, $0x11  }
0xba: {  	s0 =	sor.u32 s1, s0  }
0xbb: {  	s0 =	sadd.s32 $0x8F2B, s0  }
0xbc: {  	[sflag:s0] =	ssyncadd.remote.s32 $0x1  }
0xbd: {  	_ =	sfence.sel $0xFFFF  }
0xbe: {  	[dreg:$0x0] =	wrdreg $0xFFFFFFFF;
	(pc) =	sbr.abs _section_cstart, $3  }
0xbf: {  	[dreg:$0x1] =	wrdreg $0xFFFFFFFF  }
0xc0: {  	_ =	task.clear_ibuf [dreg:s6], $0x2FFFF;
	_ =	strace $0x9FFFFFFF  }
0xc1: {  	(tm) =	ssettm $0x7FFFFFFF  }
tec
execute0_lowered:
.L_overlay_start_1:
0x0: {  	(tag) =	ssettag $0x1  }
0x1: {  	v0 =	vlaneseq.u32;
	v5 =	vimm.s32 $0xEFCDAB89;
	v6 =	vimm.s32 $0x67452301  }
0x2: {  	v9 =	vimm.s32 $0xDCFE98BA;
	v14 =	vimm.s32 $0x32107654;
	v15 =	vimm.s32 $0xFEDCBA98  }
0x3: {  	v1 =	vor.u32 $0x10, v0;
	v7 =	vunpack.c.l.s4.s8 v5;
	v8 =	vunpack.c.l.s4.s8 v6  }
0x4: {  	v2 =	vor.u32 $0x20, v0;
	v3 =	vor.u32 $0x30, v0;
	v4 =	vor.u32 $0x40, v0  }
0x5: {  	v5 =	vor.u32 $0x50, v0;
	v10 =	vunpack.c.0.s8.s32 v7;
	v11 =	vunpack.c.0.s8.s32 v8  }
0x6: {  	s3 =	rddreg [dreg:$0x0];
	v6 =	vor.u32 $0x60, v0;
	v12 =	vunpack.c.l.s4.s8 v9;
	v9 =	vor.u32 $0x90, v0  }
0x7: {  	s0 =	rddreg [dreg:$0x1];
	s4 =	srdreg.scid;
	v15 =	vunpack.c.l.s4.s8 v15;
	v13 =	vcombine.low v11, v10;
	v10 =	vimm.s32 $0x54761032  }
0x8: {  	s2 =	simm.s32 $0x0;
	s1 =	stileid.u32;
	s8 =	simm.s32 $0x1;
	v11 =	vunpack.c.0.s8.s32 v12;
	v12 =	vimm.s32 $0xBA98FEDC;
	v10 =	vunpack.c.l.s4.s8 v10  }
0x9: {  	s9 =	simm.s32 $0x0;
	s4 =	sand.u32 $0x1, s4;
	[smem:$0x7FF] =	sst s2;
	v14 =	vunpack.c.l.s4.s8 v14;
	v7 =	vor.u32 $0x70, v0;
	v12 =	vunpack.c.l.s4.s8 v12  }
0xa: {  	s6 =	sshll.u32 s1, $0xB;
	s7 =	sshll.u32 s1, $0xA;
	s5 =	sshll.u32 s4, $0x9;
	v15 =	vunpack.c.0.s8.s32 v15;
	v16 =	vunpack.c.0.s8.s32 v10;
	v10 =	vimm.s32 $0x76543210  }
0xb: {  	_ =	strace $0x80000047;
	s6 =	sor.u32 s5, s6;
	s5 =	sor.u32 s5, s7;
	v14 =	vunpack.c.0.s8.s32 v14;
	v12 =	vunpack.c.0.s8.s32 v12;
	v17 =	vunpack.c.l.s4.s8 v10  }
0xc: {  	s4 =	ssub.s32 $0x2, s4;
	v8 =	vor.u32 $0x80, v0;
	s6 =	sshrl.u32 s6, $0x3;
	s5 =	sshrl.u32 s5, $0x3;
	v19 =	vand.u32 $0xF, v15;
	v13 =	vand.u32 $0xF, v13  }
0xd: {  	s31 =	sshrl.u32 s4, $0x1;
	s6 =	sadd.s32 s6, s3;
	s5 =	sadd.s32 s5, s3;
	v16 =	vcombine.low v16, v11;
	v18 =	vcombine.low v14, v12;
	v17 =	vunpack.c.0.s8.s32 v17  }
0xe: {  	s7 =	ssub.s32 s4, s31;
	s3 =	sadd.s32 $0x600, s6;
	s4 =	sadd.s32 $0x1600, s5;
	v10 =	vor.u32 $0xA0, v0;
	v11 =	vor.u32 $0xB0, v0;
	v12 =	vor.u32 $0xC0, v0  }
0xf: {  	s5 =	smax.u32 s7, $0x1;
	s6 =	simm.s32 $0x200;
	s7 =	simm.s32 $0x400;
	v14 =	vand.u32 $0xF, v16;
	v15 =	vand.u32 $0xF, v18;
	v16 =	vcombine.low v19, v17  }
.LBB2_1:
0x10: {  	[tilespmem:s2], [sflag:$0x1] =	stream.strided.gather [hbm4b:s3+s6], $0x400, s7, s6, $0x38;
	[tilespmem:$0x600] =	vst v63  }
0x11: {  	_ =	swait.ge [sflag:s8], $0x400  }
0x12: {  	[sflag:s8] =	ssyncset.done $0x0  }
0x13: {  	[sflag:s8] =	ssyncadd.s32 $0xFFFFFC00  }
0x14: {  	v26 =	vld [tilespmem:$0x0]  }
0x15: {  	v30 =	vld [tilespmem:$0x10];
	_ =	sdelay $0x1  }
0x16: {  	v32 =	vld [tilespmem:$0x20];
	_ =	sdelay $0x1  }
0x17: {  	v20 =	vld [tilespmem:$0x30]  }
0x18: {  	vm0 =	vge.f32 v30, v26  }
0x19: {  	v21 =	vld [tilespmem:$0x40];
	v17 =	vsel vm0, v30, v26  }
0x1a: {  	vm1 =	vge.f32 v32, v17  }
0x1b: {  	v22 =	vld [tilespmem:$0x50];
	v17 =	vsel vm1, v32, v17  }
0x1c: {  	vm2 =	vge.f32 v20, v17  }
0x1d: {  	v23 =	vld [tilespmem:$0x60];
	v17 =	vsel vm2, v20, v17  }
0x1e: {  	vm3 =	vge.f32 v21, v17  }
0x1f: {  	v24 =	vld [tilespmem:$0x70];
	v17 =	vsel vm3, v21, v17  }
0x20: {  	vm4 =	vge.f32 v22, v17  }
0x21: {  	v25 =	vld [tilespmem:$0x200];
	v18 =	vsel vm4, v22, v17  }
0x22: {  	vm5 =	vge.f32 v23, v18  }
0x23: {  	v17 =	vld [tilespmem:$0x210];
	v19 =	vsel vm5, v23, v18  }
0x24: {  	vm6 =	vge.f32 v24, v19  }
0x25: {  	v18 =	vld [tilespmem:$0x220];
	v27 =	vsel vm6, v24, v19  }
0x26: {  	vm7 =	vge.f32 v25, v27  }
0x27: {  	v19 =	vld [tilespmem:$0x230];
	v27 =	vsel vm7, v25, v27  }
0x28: {  	vm8 =	vge.f32 v17, v27  }
0x29: {  	v28 =	vld [tilespmem:$0x240];
	v27 =	vsel vm8, v17, v27  }
0x2a: {  	vm9 =	vge.f32 v18, v27  }
0x2b: {  	v27 =	vsel vm9, v18, v27  }
0x2c: {  	vm10 =	vge.f32 v19, v27  }
0x2d: {  	v27 =	vsel vm10, v19, v27  }
0x2e: {  	vm11 =	vge.f32 v28, v27  }
0x2f: {  	v27 =	vsel vm11, v28, v27  }
0x30: {  	v29 =	vperm.xlane v27, v13  }
0x31: {  	v31 =	vsel vm0, v1, v0  }
0x32: {  	v31 =	vsel vm1, v2, v31;
	v29 =	vmax.f32 v27, v29  }
0x33: {  	v31 =	vsel vm2, v3, v31;
	v33 =	vperm.xlane v29, v14  }
0x34: {  	v31 =	vsel vm3, v4, v31  }
0x35: {  	v31 =	vsel vm4, v5, v31;
	v29 =	vmax.f32 v29, v33  }
0x36: {  	v31 =	vsel vm5, v6, v31;
	v33 =	vperm.xlane v29, v15  }
0x37: {  	v31 =	vsel vm6, v7, v31  }
0x38: {  	v31 =	vsel vm7, v8, v31;
	v29 =	vmax.f32 v29, v33  }
0x39: {  	v31 =	vsel vm8, v9, v31;
	v33 =	vperm.xlane v29, v16  }
0x3a: {  	v31 =	vsel vm9, v10, v31  }
0x3b: {  	v31 =	vsel vm10, v11, v31;
	v29 =	vmax.f32 v29, v33  }
0x3c: {  	v31 =	vsel vm11, v12, v31;
	vm0 =	veq.f32 v27, v29  }
0x3d: {  	v27 =	vnsel vm0, $0xFFFFFFFF, v31  }
0x3e: {  	v29 =	vperm.xlane v27, v13;
	_ =	sdelay $0x1  }
0x3f: {  	vm0 =	vgt.s32 v27, v29  }
0x40: {  	v27 =	vsel vm0, v27, v29  }
0x41: {  	v29 =	vperm.xlane v27, v14;
	_ =	sdelay $0x1  }
0x42: {  	vm0 =	vgt.s32 v27, v29  }
0x43: {  	v27 =	vsel vm0, v27, v29  }
0x44: {  	v29 =	vperm.xlane v27, v15;
	_ =	sdelay $0x1  }
0x45: {  	vm0 =	vgt.s32 v27, v29  }
0x46: {  	v29 =	vsel vm0, v27, v29  }
0x47: {  	v31 =	vperm.xlane v29, v16;
	_ =	sdelay $0x1  }
0x48: {  	v63 =	vmov s2;
	vm0 =	vgt.s32 v29, v31  }
0x49: {  	v27 =	vimm.s32 $0x0;
	v29 =	vsel vm0, v29, v31;
	vm0 =	veq.s32 v63, v0  }
0x4a: {  	vm1 =	veq.s32 v29, v0;
	vm2 =	veq.s32 v29, v1;
	vm3 =	veq.s32 v29, v2  }
0x4b: {  	v26 =	vsel vm1, $0xFF61B1E6, v26;
	v31 =	vsel vm2, $0xFF61B1E6, v30;
	v30 =	vsel vm3, $0xFF61B1E6, v32  }
0x4c: {  	s10 =	simm.s32 $0x1;
	s11 =	simm.s32 $0x2;
	vm3 =	veq.s32 v29, v3;
	vm2 =	veq.s32 v29, v4;
	vm1 =	vge.f32 v31, v26  }
.LBB2_2:
0x4d: {  	p0 =	sne.s32 s11, $0xB;
	v32 =	vsel vm1, v31, v26;
	v20 =	vsel vm3, $0xFF61B1E6, v20;
	v21 =	vsel vm2, $0xFF61B1E6, v21  }
0x4e: {  	vm3 =	veq.s32 v29, v5;
	vm4 =	veq.s32 v29, v6;
	vm2 =	vge.f32 v30, v32  }
0x4f: {  	v22 =	vsel vm3, $0xFF61B1E6, v22;
	v23 =	vsel vm4, $0xFF61B1E6, v23;
	v32 =	vsel vm2, v30, v32  }
0x50: {  	vm5 =	veq.s32 v29, v8;
	vm4 =	veq.s32 v29, v7;
	vm3 =	vge.f32 v20, v32  }
0x51: {  	v25 =	vsel vm5, $0xFF61B1E6, v25;
	v24 =	vsel vm4, $0xFF61B1E6, v24;
	v32 =	vsel vm3, v20, v32  }
0x52: {  	vm6 =	veq.s32 v29, v10;
	vm5 =	veq.s32 v29, v9;
	vm4 =	vge.f32 v21, v32  }
0x53: {  	v18 =	vsel vm6, $0xFF61B1E6, v18;
	v17 =	vsel vm5, $0xFF61B1E6, v17;
	v32 =	vsel vm4, v21, v32  }
0x54: {  	vm7 =	veq.s32 v29, v12;
	vm6 =	veq.s32 v29, v11;
	vm5 =	vge.f32 v22, v32  }
0x55: {  	v28 =	vsel vm7, $0xFF61B1E6, v28;
	v19 =	vsel vm6, $0xFF61B1E6, v19;
	v32 =	vsel vm5, v22, v32  }
0x56: {  	v27 =	vsel vm0, v29, v27;
	vm6 =	vge.f32 v23, v32  }
0x57: {  	v29 =	vsel vm6, v23, v32  }
0x58: {  	vm0 =	vge.f32 v24, v29  }
0x59: {  	v29 =	vsel vm0, v24, v29  }
0x5a: {  	vm7 =	vge.f32 v25, v29  }
0x5b: {  	v29 =	vsel vm7, v25, v29  }
0x5c: {  	vm8 =	vge.f32 v17, v29  }
0x5d: {  	v29 =	vsel vm8, v17, v29  }
0x5e: {  	vm9 =	vge.f32 v18, v29  }
0x5f: {  	v29 =	vsel vm9, v18, v29  }
0x60: {  	vm10 =	vge.f32 v19, v29  }
0x61: {  	v29 =	vsel vm10, v19, v29  }
0x62: {  	vm11 =	vge.f32 v28, v29  }
0x63: {  	v29 =	vsel vm11, v28, v29  }
0x64: {  	v32 =	vperm.xlane v29, v13  }
0x65: {  	v33 =	vsel vm1, v1, v0  }
0x66: {  	v33 =	vsel vm2, v2, v33;
	v32 =	vmax.f32 v29, v32  }
0x67: {  	v33 =	vsel vm3, v3, v33;
	v34 =	vperm.xlane v32, v14  }
0x68: {  	v33 =	vsel vm4, v4, v33  }
0x69: {  	v33 =	vsel vm5, v5, v33;
	v32 =	vmax.f32 v32, v34  }
0x6a: {  	v33 =	vsel vm6, v6, v33;
	v34 =	vperm.xlane v32, v15  }
0x6b: {  	v33 =	vsel vm0, v7, v33  }
0x6c: {  	v33 =	vsel vm7, v8, v33;
	v32 =	vmax.f32 v32, v34  }
0x6d: {  	v33 =	vsel vm8, v9, v33;
	v34 =	vperm.xlane v32, v16  }
0x6e: {  	v33 =	vsel vm9, v10, v33  }
0x6f: {  	v33 =	vsel vm10, v11, v33;
	v32 =	vmax.f32 v32, v34  }
0x70: {  	v33 =	vsel vm11, v12, v33;
	vm0 =	veq.f32 v29, v32  }
0x71: {  	v29 =	vnsel vm0, $0xFFFFFFFF, v33  }
0x72: {  	v32 =	vperm.xlane v29, v13;
	_ =	sdelay $0x1  }
0x73: {  	vm0 =	vgt.s32 v29, v32  }
0x74: {  	v29 =	vsel vm0, v29, v32  }
0x75: {  	v32 =	vperm.xlane v29, v14;
	_ =	sdelay $0x1  }
0x76: {  	vm0 =	vgt.s32 v29, v32  }
0x77: {  	v29 =	vsel vm0, v29, v32  }
0x78: {  	v32 =	vperm.xlane v29, v15;
	_ =	sdelay $0x1  }
0x79: {  	vm0 =	vgt.s32 v29, v32  }
0x7a: {  	v29 =	vsel vm0, v29, v32  }
0x7b: {  	v32 =	vperm.xlane v29, v16;
	_ =	sdelay $0x1  }
.Ltmp0:
0x7c: {  	v33 =	vmov s10;
	s10 =	smov.u32 s11;
	vm0 =	vgt.s32 v29, v32;
	(pc) =	sbr.rel @p0 .LBB2_2-.Ltmp0, $4  }
0x7d: {  	v29 =	vsel vm0, v29, v32;
	vm0 =	veq.s32 v33, v0  }
0x7e: {  	vm1 =	veq.s32 v29, v0;
	vm2 =	veq.s32 v29, v1;
	vm3 =	veq.s32 v29, v2  }
0x7f: {  	v26 =	vsel vm1, $0xFF61B1E6, v26;
	v31 =	vsel vm2, $0xFF61B1E6, v31;
	v30 =	vsel vm3, $0xFF61B1E6, v30  }
0x80: {  	s11 =	sadd.s32 $0x1, s11;
	vm3 =	veq.s32 v29, v3;
	vm2 =	veq.s32 v29, v4;
	vm1 =	vge.f32 v31, v26  }
0x81: {  	v32 =	vld [tilespmem:$0x80]  }
0x82: {  	v33 =	vld [tilespmem:$0x90]  }
0x83: {  	v31 =	vsel vm1, v31, v26;
	v26 =	vimm.s32 $0x0;
	v35 =	vsel vm3, $0xFF61B1E6, v20  }
0x84: {  	v20 =	vimm.s32 $0x0;
	v36 =	vsel vm2, $0xFF61B1E6, v21;
	vm2 =	veq.s32 v29, v5  }
0x85: {  	v34 =	vld [tilespmem:$0xA0];
	v21 =	vimm.s32 $0x0;
	vm4 =	vge.f32 v30, v31;
	v41 =	vsel vm2, $0xFF61B1E6, v22  }
0x86: {  	v22 =	vimm.s32 $0x0;
	vm2 =	veq.s32 v29, v6;
	v26 =	vsel vm4, $0xFFFFFFFF, v26  }
0x87: {  	v30 =	vsel vm4, v30, v31;
	v42 =	vsel vm2, $0xFF61B1E6, v23;
	vm3 =	vge.f32 v33, v32  }
0x88: {  	v23 =	vimm.s32 $0x0;
	vm4 =	vge.f32 v35, v30;
	v20 =	vsel vm3, $0xFFFFFFFF, v20  }
0x89: {  	v30 =	vsel vm4, v35, v30;
	v31 =	vsel vm3, v33, v32;
	[tilespmem:$0x1FFB0] =	vst v20;
	v20 =	vimm.s32 $0x0  }
0x8a: {  	[tilespmem:$0x1FF80] =	vst v26;
	v26 =	vld [tilespmem:$0xB0];
	vm3 =	vge.f32 v34, v31;
	v20 =	vsel vm4, $0xFFFFFFFF, v20;
	vm4 =	vge.f32 v36, v30  }
0x8b: {  	vm2 =	veq.s32 v29, v7;
	v21 =	vsel vm3, $0xFFFFFFFF, v21;
	[tilespmem:$0x1FF90] =	vst v20;
	v30 =	vsel vm4, v36, v30  }
0x8c: {  	v43 =	vsel vm2, $0xFF61B1E6, v24;
	v20 =	vld [tilespmem:$0xC0];
	[tilespmem:$0x1FFC0] =	vst v21;
	v21 =	vimm.s32 $0x0;
	vm11 =	vge.f32 v41, v30  }
0x8d: {  	v24 =	vimm.s32 $0x0;
	v21 =	vsel vm4, $0xFFFFFFFF, v21;
	v30 =	vsel vm11, v41, v30  }
0x8e: {  	vm2 =	veq.s32 v29, v8;
	v31 =	vsel vm3, v34, v31;
	[tilespmem:$0x1FFA0] =	vst v21;
	v21 =	vld [tilespmem:$0xD0];
	vm13 =	vge.f32 v42, v30  }
0x8f: {  	v44 =	vsel vm2, $0xFF61B1E6, v25;
	vm3 =	vge.f32 v26, v31;
	v30 =	vsel vm13, v42, v30  }
0x90: {  	v22 =	vsel vm3, $0xFFFFFFFF, v22;
	v31 =	vsel vm3, v26, v31;
	vm9 =	vge.f32 v43, v30  }
0x91: {  	vm2 =	veq.s32 v29, v9;
	[tilespmem:$0x1FFD0] =	vst v22;
	v22 =	vld [tilespmem:$0xE0];
	vm3 =	vge.f32 v20, v31;
	v30 =	vsel vm9, v43, v30  }
0x92: {  	v23 =	vsel vm3, $0xFFFFFFFF, v23;
	v31 =	vsel vm3, v20, v31;
	vm15 =	vge.f32 v44, v30  }
0x93: {  	v45 =	vsel vm2, $0xFF61B1E6, v17;
	[tilespmem:$0x1FFE0] =	vst v23;
	v23 =	vld [tilespmem:$0xF0];
	vm3 =	vge.f32 v21, v31;
	v30 =	vsel vm15, v44, v30  }
0x94: {  	vm2 =	veq.s32 v29, v10;
	v24 =	vsel vm3, $0xFFFFFFFF, v24;
	vm8 =	vge.f32 v45, v30  }
0x95: {  	v46 =	vsel vm2, $0xFF61B1E6, v18;
	v31 =	vsel vm3, v21, v31;
	[tilespmem:$0x1FFF0] =	vst v24;
	v24 =	vld [tilespmem:$0x280];
	v30 =	vsel vm8, v45, v30  }
0x96: {  	vm2 =	veq.s32 v29, v11;
	vm10 =	vge.f32 v22, v31;
	vm5 =	vge.f32 v46, v30  }
0x97: {  	v25 =	vld [tilespmem:$0x290];
	v47 =	vsel vm2, $0xFF61B1E6, v19;
	v31 =	vsel vm10, v22, v31;
	v30 =	vsel vm5, v46, v30  }
0x98: {  	v49 =	vld [tilespmem:$0x1FF80];
	vm3 =	veq.s32 v29, v12;
	vm12 =	vge.f32 v23, v31;
	vm2 =	vge.f32 v47, v30  }
0x99: {  	v17 =	vld [tilespmem:$0x2A0];
	v28 =	vsel vm3, $0xFF61B1E6, v28;
	v31 =	vsel vm12, v23, v31;
	v30 =	vsel vm2, v47, v30  }
0x9a: {  	v18 =	vld [tilespmem:$0x2B0];
	vm14 =	vge.f32 v24, v31;
	vm4 =	vge.f32 v28, v30  }
0x9b: {  	v31 =	vsel vm14, v24, v31;
	v28 =	vsel vm4, v28, v30;
	v30 =	vld [tilespmem:$0x1FF90]  }
0x9c: {  	v51 =	vld [tilespmem:$0x1FFA0];
	vm7 =	vge.f32 v25, v31  }
0x9d: {  	v19 =	vld [tilespmem:$0x2C0];
	v31 =	vsel vm7, v25, v31  }
0x9e: {  	v48 =	vsel vm1, v1, v0;
	vm1 =	vnez.u8 v49;
	vm6 =	vge.f32 v17, v31  }
0x9f: {  	v35 =	vsel vm1, v2, v48;
	v31 =	vsel vm6, v17, v31  }
0xa0: {  	v38 =	vld [tilespmem:$0x1FFB0];
	v50 =	vperm.xlane v28, v13;
	vm3 =	vge.f32 v18, v31;
	vm1 =	vnez.u8 v30  }
0xa1: {  	v39 =	vld [tilespmem:$0x1FFC0];
	v31 =	vsel vm3, v18, v31;
	v30 =	vsel vm1, v3, v35;
	vm1 =	vnez.u8 v51  }
0xa2: {  	v54 =	vld [tilespmem:$0x1FFD0];
	v35 =	vmax.f32 v28, v50;
	v30 =	vsel vm1, v4, v30;
	vm1 =	vge.f32 v19, v31  }
0xa3: {  	v40 =	vld [tilespmem:$0x1FFE0];
	v52 =	vperm.xlane v35, v14;
	v30 =	vsel vm11, v5, v30;
	v31 =	vsel vm1, v19, v31  }
0xa4: {  	v57 =	vld [tilespmem:$0x1FFF0];
	v30 =	vsel vm13, v6, v30;
	v37 =	vperm.xlane v31, v13  }
0xa5: {  	vm13 =	vnez.u8 v38;
	v35 =	vmax.f32 v35, v52;
	v30 =	vsel vm9, v7, v30  }
0xa6: {  	v38 =	vsel vm13, v1, v0;
	vm13 =	vnez.u8 v39;
	v55 =	vperm.xlane v35, v15  }
0xa7: {  	v38 =	vsel vm13, v2, v38;
	v53 =	vmax.f32 v31, v37;
	vm13 =	vnez.u8 v54  }
0xa8: {  	v37 =	vsel vm13, v3, v38;
	v56 =	vperm.xlane v53, v14;
	vm13 =	vnez.u8 v40  }
0xa9: {  	v30 =	vsel vm15, v8, v30;
	vm15 =	vnez.u8 v57;
	v37 =	vsel vm13, v4, v37  }
0xaa: {  	v35 =	vmax.f32 v35, v55;
	v37 =	vsel vm15, v5, v37;
	v36 =	vmax.f32 v53, v56  }
0xab: {  	v30 =	vsel vm8, v9, v30;
	v37 =	vsel vm10, v6, v37;
	v58 =	vperm.xlane v36, v15  }
0xac: {  	v30 =	vsel vm5, v10, v30;
	v59 =	vperm.xlane v35, v16;
	v37 =	vsel vm12, v7, v37  }
0xad: {  	v30 =	vsel vm2, v11, v30;
	v36 =	vmax.f32 v36, v58;
	v37 =	vsel vm14, v8, v37  }
0xae: {  	v35 =	vmax.f32 v35, v59;
	v37 =	vsel vm7, v9, v37;
	v38 =	vperm.xlane v36, v16  }
0xaf: {  	vm2 =	veq.f32 v28, v35;
	v28 =	vsel vm4, v12, v30;
	v30 =	vsel vm6, v10, v37  }
0xb0: {  	v28 =	vnsel vm2, $0xFFFFFFFF, v28;
	v30 =	vsel vm3, v11, v30;
	v60 =	vmax.f32 v36, v38  }
0xb1: {  	v61 =	vperm.xlane v28, v13;
	v30 =	vsel vm1, v12, v30;
	vm1 =	veq.f32 v31, v60  }
0xb2: {  	v30 =	vnsel vm1, $0xFFFFFFFF, v30  }
0xb3: {  	vm1 =	vgt.s32 v28, v61;
	v31 =	vperm.xlane v30, v13  }
0xb4: {  	v28 =	vsel vm1, v28, v61  }
0xb5: {  	v62 =	vperm.xlane v28, v14;
	vm1 =	vgt.s32 v30, v31  }
0xb6: {  	v30 =	vsel vm1, v30, v31  }
0xb7: {  	vm1 =	vgt.s32 v28, v62;
	v31 =	vperm.xlane v30, v14  }
0xb8: {  	v28 =	vsel vm1, v28, v62  }
0xb9: {  	v35 =	vperm.xlane v28, v15;
	vm1 =	vgt.s32 v30, v31  }
0xba: {  	v30 =	vsel vm1, v30, v31  }
0xbb: {  	vm1 =	vgt.s32 v28, v35;
	v31 =	vperm.xlane v30, v15  }
0xbc: {  	v28 =	vsel vm1, v28, v35  }
0xbd: {  	v35 =	vperm.xlane v28, v16;
	vm1 =	vgt.s32 v30, v31  }
0xbe: {  	v30 =	vsel vm1, v30, v31  }
0xbf: {  	vm1 =	vgt.s32 v28, v35;
	v31 =	vmov s10;
	v63 =	vperm.xlane v30, v16  }
0xc0: {  	v27 =	vsel vm0, v29, v27;
	s31 =	simm.s32 $0x0;
	v28 =	vsel vm1, v28, v35;
	vm0 =	veq.s32 v31, v0  }
0xc1: {  	v35 =	vsel vm0, v28, v27;
	v27 =	vmov s31;
	vm0 =	vgt.s32 v30, v63  }
0xc2: {  	v29 =	vimm.s32 $0x0;
	v30 =	vsel vm0, v30, v63;
	vm0 =	veq.s32 v27, v0  }
0xc3: {  	vm1 =	veq.s32 v30, v0;
	vm2 =	veq.s32 v30, v1;
	vm3 =	veq.s32 v30, v2  }
0xc4: {  	v28 =	vsel vm1, $0xFF61B1E6, v32;
	v31 =	vsel vm2, $0xFF61B1E6, v33;
	v27 =	vsel vm3, $0xFF61B1E6, v34  }
0xc5: {  	s11 =	simm.s32 $0x2;
	s10 =	simm.s32 $0x1;
	[tilespmem:$0x400] =	vst v35;
	vm3 =	veq.s32 v30, v3;
	vm2 =	veq.s32 v30, v4;
	vm1 =	vge.f32 v31, v28  }
.LBB2_4:
0xc6: {  	p0 =	sne.s32 s11, $0xB;
	v32 =	vsel vm1, v31, v28;
	v26 =	vsel vm3, $0xFF61B1E6, v26;
	v20 =	vsel vm2, $0xFF61B1E6, v20  }
0xc7: {  	vm3 =	veq.s32 v30, v5;
	vm4 =	veq.s32 v30, v6;
	vm2 =	vge.f32 v27, v32  }
0xc8: {  	v21 =	vsel vm3, $0xFF61B1E6, v21;
	v22 =	vsel vm4, $0xFF61B1E6, v22;
	v32 =	vsel vm2, v27, v32  }
0xc9: {  	vm5 =	veq.s32 v30, v8;
	vm4 =	veq.s32 v30, v7;
	vm3 =	vge.f32 v26, v32  }
0xca: {  	v24 =	vsel vm5, $0xFF61B1E6, v24;
	v23 =	vsel vm4, $0xFF61B1E6, v23;
	v32 =	vsel vm3, v26, v32  }
0xcb: {  	vm6 =	veq.s32 v30, v10;
	vm5 =	veq.s32 v30, v9;
	vm4 =	vge.f32 v20, v32  }
0xcc: {  	v17 =	vsel vm6, $0xFF61B1E6, v17;
	v25 =	vsel vm5, $0xFF61B1E6, v25;
	v32 =	vsel vm4, v20, v32  }
0xcd: {  	vm7 =	veq.s32 v30, v12;
	vm6 =	veq.s32 v30, v11;
	vm5 =	vge.f32 v21, v32  }
0xce: {  	v19 =	vsel vm7, $0xFF61B1E6, v19;
	v18 =	vsel vm6, $0xFF61B1E6, v18;
	v32 =	vsel vm5, v21, v32  }
0xcf: {  	v29 =	vsel vm0, v30, v29;
	vm6 =	vge.f32 v22, v32  }
0xd0: {  	v30 =	vsel vm6, v22, v32  }
0xd1: {  	vm0 =	vge.f32 v23, v30  }
0xd2: {  	v30 =	vsel vm0, v23, v30  }
0xd3: {  	vm7 =	vge.f32 v24, v30  }
0xd4: {  	v30 =	vsel vm7, v24, v30  }
0xd5: {  	vm8 =	vge.f32 v25, v30  }
0xd6: {  	v30 =	vsel vm8, v25, v30  }
0xd7: {  	vm9 =	vge.f32 v17, v30  }
0xd8: {  	v30 =	vsel vm9, v17, v30  }
0xd9: {  	vm10 =	vge.f32 v18, v30  }
0xda: {  	v30 =	vsel vm10, v18, v30  }
0xdb: {  	vm11 =	vge.f32 v19, v30  }
0xdc: {  	v30 =	vsel vm11, v19, v30  }
0xdd: {  	v32 =	vperm.xlane v30, v13  }
0xde: {  	v33 =	vsel vm1, v1, v0  }
0xdf: {  	v33 =	vsel vm2, v2, v33;
	v32 =	vmax.f32 v30, v32  }
0xe0: {  	v33 =	vsel vm3, v3, v33;
	v34 =	vperm.xlane v32, v14  }
0xe1: {  	v33 =	vsel vm4, v4, v33  }
0xe2: {  	v33 =	vsel vm5, v5, v33;
	v32 =	vmax.f32 v32, v34  }
0xe3: {  	v33 =	vsel vm6, v6, v33;
	v34 =	vperm.xlane v32, v15  }
0xe4: {  	v33 =	vsel vm0, v7, v33  }
0xe5: {  	v33 =	vsel vm7, v8, v33;
	v32 =	vmax.f32 v32, v34  }
0xe6: {  	v33 =	vsel vm8, v9, v33;
	v34 =	vperm.xlane v32, v16  }
0xe7: {  	v33 =	vsel vm9, v10, v33  }
0xe8: {  	v33 =	vsel vm10, v11, v33;
	v32 =	vmax.f32 v32, v34  }
0xe9: {  	v33 =	vsel vm11, v12, v33;
	vm0 =	veq.f32 v30, v32  }
0xea: {  	v30 =	vnsel vm0, $0xFFFFFFFF, v33  }
0xeb: {  	v32 =	vperm.xlane v30, v13;
	_ =	sdelay $0x1  }
0xec: {  	vm0 =	vgt.s32 v30, v32  }
0xed: {  	v30 =	vsel vm0, v30, v32  }
0xee: {  	v32 =	vperm.xlane v30, v14;
	_ =	sdelay $0x1  }
0xef: {  	vm0 =	vgt.s32 v30, v32  }
0xf0: {  	v30 =	vsel vm0, v30, v32  }
0xf1: {  	v32 =	vperm.xlane v30, v15;
	_ =	sdelay $0x1  }
0xf2: {  	vm0 =	vgt.s32 v30, v32  }
0xf3: {  	v30 =	vsel vm0, v30, v32  }
0xf4: {  	v32 =	vperm.xlane v30, v16;
	_ =	sdelay $0x1  }
.Ltmp1:
0xf5: {  	v33 =	vmov s10;
	s10 =	smov.u32 s11;
	vm0 =	vgt.s32 v30, v32;
	(pc) =	sbr.rel @p0 .LBB2_4-.Ltmp1, $4  }
0xf6: {  	v30 =	vsel vm0, v30, v32;
	vm0 =	veq.s32 v33, v0  }
0xf7: {  	vm1 =	veq.s32 v30, v0;
	vm2 =	veq.s32 v30, v1;
	vm3 =	veq.s32 v30, v2  }
0xf8: {  	v28 =	vsel vm1, $0xFF61B1E6, v28;
	v31 =	vsel vm2, $0xFF61B1E6, v31;
	v27 =	vsel vm3, $0xFF61B1E6, v27  }
0xf9: {  	s11 =	sadd.s32 $0x1, s11;
	vm3 =	veq.s32 v30, v3;
	vm2 =	veq.s32 v30, v4;
	vm1 =	vge.f32 v31, v28  }
0xfa: {  	v32 =	vld [tilespmem:$0x100]  }
0xfb: {  	v33 =	vld [tilespmem:$0x110]  }
0xfc: {  	v31 =	vsel vm1, v31, v28;
	v28 =	vimm.s32 $0x0;
	v35 =	vsel vm3, $0xFF61B1E6, v26  }
0xfd: {  	v26 =	vimm.s32 $0x0;
	v20 =	vsel vm2, $0xFF61B1E6, v20;
	vm2 =	veq.s32 v30, v5  }
0xfe: {  	v34 =	vld [tilespmem:$0x120];
	vm4 =	vge.f32 v27, v31;
	v36 =	vsel vm2, $0xFF61B1E6, v21;
	v21 =	vimm.s32 $0x0  }
0xff: {  	vm2 =	veq.s32 v30, v6;
	v28 =	vsel vm4, $0xFFFFFFFF, v28;
	v27 =	vsel vm4, v27, v31  }
0x100: {  	v43 =	vsel vm2, $0xFF61B1E6, v22;
	vm4 =	vge.f32 v35, v27;
	vm3 =	vge.f32 v33, v32  }
0x101: {  	v22 =	vimm.s32 $0x0;
	v35 =	vsel vm4, v35, v27;
	v26 =	vsel vm3, $0xFFFFFFFF, v26  }
0x102: {  	v27 =	vimm.s32 $0x0;
	v31 =	vsel vm3, v33, v32;
	[tilespmem:$0x1FF30] =	vst v26;
	v26 =	vimm.s32 $0x0  }
0x103: {  	[tilespmem:$0x1FF00] =	vst v28;
	v28 =	vld [tilespmem:$0x130];
	vm3 =	vge.f32 v34, v31;
	v26 =	vsel vm4, $0xFFFFFFFF, v26;
	vm4 =	vge.f32 v20, v35  }
0x104: {  	vm2 =	veq.s32 v30, v7;
	v27 =	vsel vm3, $0xFFFFFFFF, v27;
	[tilespmem:$0x1FF10] =	vst v26;
	v20 =	vsel vm4, v20, v35  }
0x105: {  	v44 =	vsel vm2, $0xFF61B1E6, v23;
	v26 =	vld [tilespmem:$0x140];
	[tilespmem:$0x1FF40] =	vst v27;
	v27 =	vimm.s32 $0x0;
	vm11 =	vge.f32 v36, v20  }
0x106: {  	v23 =	vimm.s32 $0x0;
	v27 =	vsel vm4, $0xFFFFFFFF, v27;
	v20 =	vsel vm11, v36, v20  }
0x107: {  	vm2 =	veq.s32 v30, v8;
	v31 =	vsel vm3, v34, v31;
	[tilespmem:$0x1FF20] =	vst v27;
	v27 =	vld [tilespmem:$0x150];
	vm13 =	vge.f32 v43, v20  }
0x108: {  	v45 =	vsel vm2, $0xFF61B1E6, v24;
	vm3 =	vge.f32 v28, v31;
	v20 =	vsel vm13, v43, v20  }
0x109: {  	v21 =	vsel vm3, $0xFFFFFFFF, v21;
	v31 =	vsel vm3, v28, v31;
	vm9 =	vge.f32 v44, v20  }
0x10a: {  	vm2 =	veq.s32 v30, v9;
	[tilespmem:$0x1FF50] =	vst v21;
	v21 =	vld [tilespmem:$0x160];
	vm3 =	vge.f32 v26, v31;
	v20 =	vsel vm9, v44, v20  }
0x10b: {  	v22 =	vsel vm3, $0xFFFFFFFF, v22;
	v31 =	vsel vm3, v26, v31;
	vm15 =	vge.f32 v45, v20  }
0x10c: {  	v25 =	vsel vm2, $0xFF61B1E6, v25;
	[tilespmem:$0x1FF60] =	vst v22;
	v22 =	vld [tilespmem:$0x170];
	vm3 =	vge.f32 v27, v31;
	v35 =	vsel vm15, v45, v20  }
0x10d: {  	vm2 =	veq.s32 v30, v10;
	v23 =	vsel vm3, $0xFFFFFFFF, v23;
	vm8 =	vge.f32 v25, v35  }
0x10e: {  	v46 =	vsel vm2, $0xFF61B1E6, v17;
	v31 =	vsel vm3, v27, v31;
	[tilespmem:$0x1FF70] =	vst v23;
	v23 =	vld [tilespmem:$0x300];
	v25 =	vsel vm8, v25, v35  }
0x10f: {  	vm2 =	veq.s32 v30, v11;
	vm10 =	vge.f32 v21, v31;
	vm5 =	vge.f32 v46, v25  }
0x110: {  	v24 =	vld [tilespmem:$0x310];
	v47 =	vsel vm2, $0xFF61B1E6, v18;
	v31 =	vsel vm10, v21, v31;
	v25 =	vsel vm5, v46, v25  }
0x111: {  	v49 =	vld [tilespmem:$0x1FF00];
	vm3 =	veq.s32 v30, v12;
	vm12 =	vge.f32 v22, v31;
	vm2 =	vge.f32 v47, v25  }
0x112: {  	v20 =	vld [tilespmem:$0x320];
	v19 =	vsel vm3, $0xFF61B1E6, v19;
	v31 =	vsel vm12, v22, v31;
	v25 =	vsel vm2, v47, v25  }
0x113: {  	v17 =	vld [tilespmem:$0x330];
	vm14 =	vge.f32 v23, v31;
	vm4 =	vge.f32 v19, v25  }
0x114: {  	v31 =	vsel vm14, v23, v31;
	v19 =	vsel vm4, v19, v25;
	v25 =	vld [tilespmem:$0x1FF10]  }
0x115: {  	v51 =	vld [tilespmem:$0x1FF20];
	vm7 =	vge.f32 v24, v31  }
0x116: {  	v18 =	vld [tilespmem:$0x340];
	v31 =	vsel vm7, v24, v31  }
0x117: {  	v48 =	vsel vm1, v1, v0;
	vm1 =	vnez.u8 v49;
	vm6 =	vge.f32 v20, v31  }
0x118: {  	v35 =	vsel vm1, v2, v48;
	v31 =	vsel vm6, v20, v31  }
0x119: {  	v38 =	vld [tilespmem:$0x1FF30];
	v50 =	vperm.xlane v19, v13;
	vm3 =	vge.f32 v17, v31;
	vm1 =	vnez.u8 v25  }
0x11a: {  	v39 =	vld [tilespmem:$0x1FF40];
	v31 =	vsel vm3, v17, v31;
	v25 =	vsel vm1, v3, v35;
	vm1 =	vnez.u8 v51  }
0x11b: {  	v54 =	vld [tilespmem:$0x1FF50];
	v35 =	vmax.f32 v19, v50;
	v25 =	vsel vm1, v4, v25;
	vm1 =	vge.f32 v18, v31  }
0x11c: {  	v40 =	vld [tilespmem:$0x1FF60];
	v52 =	vperm.xlane v35, v14;
	v25 =	vsel vm11, v5, v25;
	v31 =	vsel vm1, v18, v31  }
0x11d: {  	v57 =	vld [tilespmem:$0x1FF70];
	v25 =	vsel vm13, v6, v25;
	v37 =	vperm.xlane v31, v13  }
0x11e: {  	vm13 =	vnez.u8 v38;
	v35 =	vmax.f32 v35, v52;
	v25 =	vsel vm9, v7, v25  }
0x11f: {  	v38 =	vsel vm13, v1, v0;
	vm13 =	vnez.u8 v39;
	v55 =	vperm.xlane v35, v15  }
0x120: {  	v38 =	vsel vm13, v2, v38;
	v53 =	vmax.f32 v31, v37;
	vm13 =	vnez.u8 v54  }
0x121: {  	v37 =	vsel vm13, v3, v38;
	v56 =	vperm.xlane v53, v14;
	vm13 =	vnez.u8 v40  }
0x122: {  	v25 =	vsel vm15, v8, v25;
	vm15 =	vnez.u8 v57;
	v37 =	vsel vm13, v4, v37  }
0x123: {  	v35 =	vmax.f32 v35, v55;
	v37 =	vsel vm15, v5, v37;
	v36 =	vmax.f32 v53, v56  }
0x124: {  	v25 =	vsel vm8, v9, v25;
	v37 =	vsel vm10, v6, v37;
	v58 =	vperm.xlane v36, v15  }
0x125: {  	v25 =	vsel vm5, v10, v25;
	v59 =	vperm.xlane v35, v16;
	v37 =	vsel vm12, v7, v37  }
0x126: {  	v25 =	vsel vm2, v11, v25;
	v36 =	vmax.f32 v36, v58;
	v37 =	vsel vm14, v8, v37  }
0x127: {  	v35 =	vmax.f32 v35, v59;
	v37 =	vsel vm7, v9, v37;
	v38 =	vperm.xlane v36, v16  }
0x128: {  	vm2 =	veq.f32 v19, v35;
	v19 =	vsel vm4, v12, v25;
	v25 =	vsel vm6, v10, v37  }
0x129: {  	v19 =	vnsel vm2, $0xFFFFFFFF, v19;
	v25 =	vsel vm3, v11, v25;
	v60 =	vmax.f32 v36, v38  }
0x12a: {  	v61 =	vperm.xlane v19, v13;
	v25 =	vsel vm1, v12, v25;
	vm1 =	veq.f32 v31, v60  }
0x12b: {  	v25 =	vnsel vm1, $0xFFFFFFFF, v25  }
0x12c: {  	vm1 =	vgt.s32 v19, v61;
	v31 =	vperm.xlane v25, v13  }
0x12d: {  	v19 =	vsel vm1, v19, v61  }
0x12e: {  	v62 =	vperm.xlane v19, v14;
	vm1 =	vgt.s32 v25, v31  }
0x12f: {  	v25 =	vsel vm1, v25, v31  }
0x130: {  	vm1 =	vgt.s32 v19, v62;
	v31 =	vperm.xlane v25, v14  }
0x131: {  	v19 =	vsel vm1, v19, v62  }
0x132: {  	v35 =	vperm.xlane v19, v15;
	vm1 =	vgt.s32 v25, v31  }
0x133: {  	v25 =	vsel vm1, v25, v31  }
0x134: {  	vm1 =	vgt.s32 v19, v35;
	v31 =	vperm.xlane v25, v15  }
0x135: {  	v19 =	vsel vm1, v19, v35  }
0x136: {  	v35 =	vperm.xlane v19, v16;
	vm1 =	vgt.s32 v25, v31  }
0x137: {  	v25 =	vsel vm1, v25, v31  }
0x138: {  	vm1 =	vgt.s32 v19, v35;
	v31 =	vmov s10;
	v63 =	vperm.xlane v25, v16  }
0x139: {  	v29 =	vsel vm0, v30, v29;
	s31 =	simm.s32 $0x0;
	v19 =	vsel vm1, v19, v35;
	vm0 =	veq.s32 v31, v0  }
0x13a: {  	v35 =	vsel vm0, v19, v29;
	v19 =	vmov s31;
	vm0 =	vgt.s32 v25, v63  }
0x13b: {  	v29 =	vimm.s32 $0x0;
	v30 =	vsel vm0, v25, v63;
	vm0 =	veq.s32 v19, v0  }
0x13c: {  	vm1 =	veq.s32 v30, v0;
	vm2 =	veq.s32 v30, v1;
	vm3 =	veq.s32 v30, v2  }
0x13d: {  	v19 =	vsel vm1, $0xFF61B1E6, v32;
	v31 =	vsel vm2, $0xFF61B1E6, v33;
	v25 =	vsel vm3, $0xFF61B1E6, v34  }
0x13e: {  	s11 =	simm.s32 $0x2;
	s10 =	simm.s32 $0x1;
	[tilespmem:$0x480] =	vst v35;
	vm3 =	veq.s32 v30, v3;
	vm2 =	veq.s32 v30, v4;
	vm1 =	vge.f32 v31, v19  }
.LBB2_6:
0x13f: {  	p0 =	sne.s32 s11, $0xB;
	v32 =	vsel vm1, v31, v19;
	v28 =	vsel vm3, $0xFF61B1E6, v28;
	v26 =	vsel vm2, $0xFF61B1E6, v26  }
0x140: {  	vm3 =	veq.s32 v30, v5;
	vm4 =	veq.s32 v30, v6;
	vm2 =	vge.f32 v25, v32  }
0x141: {  	v27 =	vsel vm3, $0xFF61B1E6, v27;
	v21 =	vsel vm4, $0xFF61B1E6, v21;
	v32 =	vsel vm2, v25, v32  }
0x142: {  	vm5 =	veq.s32 v30, v8;
	vm4 =	veq.s32 v30, v7;
	vm3 =	vge.f32 v28, v32  }
0x143: {  	v23 =	vsel vm5, $0xFF61B1E6, v23;
	v22 =	vsel vm4, $0xFF61B1E6, v22;
	v32 =	vsel vm3, v28, v32  }
0x144: {  	vm6 =	veq.s32 v30, v10;
	vm5 =	veq.s32 v30, v9;
	vm4 =	vge.f32 v26, v32  }
0x145: {  	v20 =	vsel vm6, $0xFF61B1E6, v20;
	v24 =	vsel vm5, $0xFF61B1E6, v24;
	v32 =	vsel vm4, v26, v32  }
0x146: {  	vm7 =	veq.s32 v30, v12;
	vm6 =	veq.s32 v30, v11;
	vm5 =	vge.f32 v27, v32  }
0x147: {  	v18 =	vsel vm7, $0xFF61B1E6, v18;
	v17 =	vsel vm6, $0xFF61B1E6, v17;
	v32 =	vsel vm5, v27, v32  }
0x148: {  	v29 =	vsel vm0, v30, v29;
	vm6 =	vge.f32 v21, v32  }
0x149: {  	v30 =	vsel vm6, v21, v32  }
0x14a: {  	vm0 =	vge.f32 v22, v30  }
0x14b: {  	v30 =	vsel vm0, v22, v30  }
0x14c: {  	vm7 =	vge.f32 v23, v30  }
0x14d: {  	v30 =	vsel vm7, v23, v30  }
0x14e: {  	vm8 =	vge.f32 v24, v30  }
0x14f: {  	v30 =	vsel vm8, v24, v30  }
0x150: {  	vm9 =	vge.f32 v20, v30  }
0x151: {  	v30 =	vsel vm9, v20, v30  }
0x152: {  	vm10 =	vge.f32 v17, v30  }
0x153: {  	v30 =	vsel vm10, v17, v30  }
0x154: {  	vm11 =	vge.f32 v18, v30  }
0x155: {  	v30 =	vsel vm11, v18, v30  }
0x156: {  	v32 =	vperm.xlane v30, v13  }
0x157: {  	v33 =	vsel vm1, v1, v0  }
0x158: {  	v33 =	vsel vm2, v2, v33;
	v32 =	vmax.f32 v30, v32  }
0x159: {  	v33 =	vsel vm3, v3, v33;
	v34 =	vperm.xlane v32, v14  }
0x15a: {  	v33 =	vsel vm4, v4, v33  }
0x15b: {  	v33 =	vsel vm5, v5, v33;
	v32 =	vmax.f32 v32, v34  }
0x15c: {  	v33 =	vsel vm6, v6, v33;
	v34 =	vperm.xlane v32, v15  }
0x15d: {  	v33 =	vsel vm0, v7, v33  }
0x15e: {  	v33 =	vsel vm7, v8, v33;
	v32 =	vmax.f32 v32, v34  }
0x15f: {  	v33 =	vsel vm8, v9, v33;
	v34 =	vperm.xlane v32, v16  }
0x160: {  	v33 =	vsel vm9, v10, v33  }
0x161: {  	v33 =	vsel vm10, v11, v33;
	v32 =	vmax.f32 v32, v34  }
0x162: {  	v33 =	vsel vm11, v12, v33;
	vm0 =	veq.f32 v30, v32  }
0x163: {  	v30 =	vnsel vm0, $0xFFFFFFFF, v33  }
0x164: {  	v32 =	vperm.xlane v30, v13;
	_ =	sdelay $0x1  }
0x165: {  	vm0 =	vgt.s32 v30, v32  }
0x166: {  	v30 =	vsel vm0, v30, v32  }
0x167: {  	v32 =	vperm.xlane v30, v14;
	_ =	sdelay $0x1  }
0x168: {  	vm0 =	vgt.s32 v30, v32  }
0x169: {  	v30 =	vsel vm0, v30, v32  }
0x16a: {  	v32 =	vperm.xlane v30, v15;
	_ =	sdelay $0x1  }
0x16b: {  	vm0 =	vgt.s32 v30, v32  }
0x16c: {  	v30 =	vsel vm0, v30, v32  }
0x16d: {  	v32 =	vperm.xlane v30, v16;
	_ =	sdelay $0x1  }
.Ltmp2:
0x16e: {  	v33 =	vmov s10;
	s10 =	smov.u32 s11;
	vm0 =	vgt.s32 v30, v32;
	(pc) =	sbr.rel @p0 .LBB2_6-.Ltmp2, $4  }
0x16f: {  	v30 =	vsel vm0, v30, v32;
	vm0 =	veq.s32 v33, v0  }
0x170: {  	vm1 =	veq.s32 v30, v0;
	vm2 =	veq.s32 v30, v1;
	vm3 =	veq.s32 v30, v2  }
0x171: {  	v19 =	vsel vm1, $0xFF61B1E6, v19;
	v31 =	vsel vm2, $0xFF61B1E6, v31;
	v25 =	vsel vm3, $0xFF61B1E6, v25  }
0x172: {  	s11 =	sadd.s32 $0x1, s11;
	vm3 =	veq.s32 v30, v3;
	vm2 =	veq.s32 v30, v4;
	vm1 =	vge.f32 v31, v19  }
0x173: {  	v32 =	vld [tilespmem:$0x180]  }
0x174: {  	v33 =	vld [tilespmem:$0x190]  }
0x175: {  	v31 =	vsel vm1, v31, v19;
	v19 =	vimm.s32 $0x0;
	v28 =	vsel vm3, $0xFF61B1E6, v28  }
0x176: {  	v36 =	vsel vm2, $0xFF61B1E6, v26;
	v26 =	vimm.s32 $0x0;
	vm2 =	veq.s32 v30, v5  }
0x177: {  	v34 =	vld [tilespmem:$0x1A0];
	vm4 =	vge.f32 v25, v31;
	v41 =	vsel vm2, $0xFF61B1E6, v27;
	v27 =	vimm.s32 $0x0  }
0x178: {  	vm2 =	veq.s32 v30, v6;
	v19 =	vsel vm4, $0xFFFFFFFF, v19;
	v31 =	vsel vm4, v25, v31  }
0x179: {  	v25 =	vimm.s32 $0x0;
	v42 =	vsel vm2, $0xFF61B1E6, v21;
	vm3 =	vge.f32 v33, v32  }
0x17a: {  	v21 =	vimm.s32 $0x0;
	vm4 =	vge.f32 v28, v31;
	v25 =	vsel vm3, $0xFFFFFFFF, v25  }
0x17b: {  	v28 =	vsel vm4, v28, v31;
	v35 =	vsel vm3, v33, v32;
	[tilespmem:$0x1FEB0] =	vst v25;
	v25 =	vimm.s32 $0x0  }
0x17c: {  	[tilespmem:$0x1FE80] =	vst v19;
	v19 =	vld [tilespmem:$0x1B0];
	vm3 =	vge.f32 v34, v35;
	v25 =	vsel vm4, $0xFFFFFFFF, v25;
	vm4 =	vge.f32 v36, v28  }
0x17d: {  	vm2 =	veq.s32 v30, v7;
	v26 =	vsel vm3, $0xFFFFFFFF, v26;
	[tilespmem:$0x1FE90] =	vst v25;
	v28 =	vsel vm4, v36, v28  }
0x17e: {  	v43 =	vsel vm2, $0xFF61B1E6, v22;
	v25 =	vld [tilespmem:$0x1C0];
	[tilespmem:$0x1FEC0] =	vst v26;
	v26 =	vimm.s32 $0x0;
	vm11 =	vge.f32 v41, v28  }
0x17f: {  	v22 =	vimm.s32 $0x0;
	v26 =	vsel vm4, $0xFFFFFFFF, v26;
	v28 =	vsel vm11, v41, v28  }
0x180: {  	vm2 =	veq.s32 v30, v8;
	v31 =	vsel vm3, v34, v35;
	[tilespmem:$0x1FEA0] =	vst v26;
	v26 =	vld [tilespmem:$0x1D0];
	vm13 =	vge.f32 v42, v28  }
0x181: {  	v44 =	vsel vm2, $0xFF61B1E6, v23;
	vm3 =	vge.f32 v19, v31;
	v28 =	vsel vm13, v42, v28  }
0x182: {  	v27 =	vsel vm3, $0xFFFFFFFF, v27;
	v31 =	vsel vm3, v19, v31;
	vm9 =	vge.f32 v43, v28  }
0x183: {  	vm2 =	veq.s32 v30, v9;
	[tilespmem:$0x1FED0] =	vst v27;
	v27 =	vld [tilespmem:$0x1E0];
	vm3 =	vge.f32 v25, v31;
	v28 =	vsel vm9, v43, v28  }
0x184: {  	v21 =	vsel vm3, $0xFFFFFFFF, v21;
	v31 =	vsel vm3, v25, v31;
	vm15 =	vge.f32 v44, v28  }
0x185: {  	v45 =	vsel vm2, $0xFF61B1E6, v24;
	[tilespmem:$0x1FEE0] =	vst v21;
	v21 =	vld [tilespmem:$0x1F0];
	vm3 =	vge.f32 v26, v31;
	v28 =	vsel vm15, v44, v28  }
0x186: {  	vm2 =	veq.s32 v30, v10;
	v22 =	vsel vm3, $0xFFFFFFFF, v22;
	vm8 =	vge.f32 v45, v28  }
0x187: {  	v46 =	vsel vm2, $0xFF61B1E6, v20;
	v31 =	vsel vm3, v26, v31;
	[tilespmem:$0x1FEF0] =	vst v22;
	v22 =	vld [tilespmem:$0x380];
	v28 =	vsel vm8, v45, v28  }
0x188: {  	vm2 =	veq.s32 v30, v11;
	vm10 =	vge.f32 v27, v31;
	vm5 =	vge.f32 v46, v28  }
0x189: {  	v23 =	vld [tilespmem:$0x390];
	v47 =	vsel vm2, $0xFF61B1E6, v17;
	v31 =	vsel vm10, v27, v31;
	v28 =	vsel vm5, v46, v28  }
0x18a: {  	v49 =	vld [tilespmem:$0x1FE80];
	vm3 =	veq.s32 v30, v12;
	vm12 =	vge.f32 v21, v31;
	vm2 =	vge.f32 v47, v28  }
0x18b: {  	v24 =	vld [tilespmem:$0x3A0];
	v18 =	vsel vm3, $0xFF61B1E6, v18;
	v31 =	vsel vm12, v21, v31;
	v28 =	vsel vm2, v47, v28  }
0x18c: {  	v20 =	vld [tilespmem:$0x3B0];
	vm14 =	vge.f32 v22, v31;
	vm4 =	vge.f32 v18, v28  }
0x18d: {  	v31 =	vsel vm14, v22, v31;
	v18 =	vsel vm4, v18, v28;
	v28 =	vld [tilespmem:$0x1FE90]  }
0x18e: {  	v51 =	vld [tilespmem:$0x1FEA0];
	vm7 =	vge.f32 v23, v31  }
0x18f: {  	v17 =	vld [tilespmem:$0x3C0];
	v31 =	vsel vm7, v23, v31  }
0x190: {  	v48 =	vsel vm1, v1, v0;
	vm1 =	vnez.u8 v49;
	vm6 =	vge.f32 v24, v31  }
0x191: {  	v35 =	vsel vm1, v2, v48;
	v31 =	vsel vm6, v24, v31  }
0x192: {  	v38 =	vld [tilespmem:$0x1FEB0];
	v50 =	vperm.xlane v18, v13;
	vm3 =	vge.f32 v20, v31;
	vm1 =	vnez.u8 v28  }
0x193: {  	v39 =	vld [tilespmem:$0x1FEC0];
	v31 =	vsel vm3, v20, v31;
	v28 =	vsel vm1, v3, v35;
	vm1 =	vnez.u8 v51  }
0x194: {  	v54 =	vld [tilespmem:$0x1FED0];
	v35 =	vmax.f32 v18, v50;
	v28 =	vsel vm1, v4, v28;
	vm1 =	vge.f32 v17, v31  }
0x195: {  	v40 =	vld [tilespmem:$0x1FEE0];
	v52 =	vperm.xlane v35, v14;
	v28 =	vsel vm11, v5, v28;
	v31 =	vsel vm1, v17, v31  }
0x196: {  	v57 =	vld [tilespmem:$0x1FEF0];
	v28 =	vsel vm13, v6, v28;
	v37 =	vperm.xlane v31, v13  }
0x197: {  	vm13 =	vnez.u8 v38;
	v35 =	vmax.f32 v35, v52;
	v28 =	vsel vm9, v7, v28  }
0x198: {  	v38 =	vsel vm13, v1, v0;
	vm13 =	vnez.u8 v39;
	v55 =	vperm.xlane v35, v15  }
0x199: {  	v38 =	vsel vm13, v2, v38;
	v53 =	vmax.f32 v31, v37;
	vm13 =	vnez.u8 v54  }
0x19a: {  	v37 =	vsel vm13, v3, v38;
	v56 =	vperm.xlane v53, v14;
	vm13 =	vnez.u8 v40  }
0x19b: {  	v28 =	vsel vm15, v8, v28;
	vm15 =	vnez.u8 v57;
	v37 =	vsel vm13, v4, v37  }
0x19c: {  	v35 =	vmax.f32 v35, v55;
	v37 =	vsel vm15, v5, v37;
	v36 =	vmax.f32 v53, v56  }
0x19d: {  	v28 =	vsel vm8, v9, v28;
	v37 =	vsel vm10, v6, v37;
	v58 =	vperm.xlane v36, v15  }
0x19e: {  	v28 =	vsel vm5, v10, v28;
	v59 =	vperm.xlane v35, v16;
	v37 =	vsel vm12, v7, v37  }
0x19f: {  	v28 =	vsel vm2, v11, v28;
	v36 =	vmax.f32 v36, v58;
	v37 =	vsel vm14, v8, v37  }
0x1a0: {  	v35 =	vmax.f32 v35, v59;
	v37 =	vsel vm7, v9, v37;
	v38 =	vperm.xlane v36, v16  }
0x1a1: {  	vm2 =	veq.f32 v18, v35;
	v18 =	vsel vm4, v12, v28;
	v28 =	vsel vm6, v10, v37  }
0x1a2: {  	v18 =	vnsel vm2, $0xFFFFFFFF, v18;
	v28 =	vsel vm3, v11, v28;
	v60 =	vmax.f32 v36, v38  }
0x1a3: {  	v61 =	vperm.xlane v18, v13;
	v28 =	vsel vm1, v12, v28;
	vm1 =	veq.f32 v31, v60  }
0x1a4: {  	v28 =	vnsel vm1, $0xFFFFFFFF, v28  }
0x1a5: {  	vm1 =	vgt.s32 v18, v61;
	v31 =	vperm.xlane v28, v13  }
0x1a6: {  	v18 =	vsel vm1, v18, v61  }
0x1a7: {  	v62 =	vperm.xlane v18, v14;
	vm1 =	vgt.s32 v28, v31  }
0x1a8: {  	v28 =	vsel vm1, v28, v31  }
0x1a9: {  	vm1 =	vgt.s32 v18, v62;
	v31 =	vperm.xlane v28, v14  }
0x1aa: {  	v18 =	vsel vm1, v18, v62  }
0x1ab: {  	v35 =	vperm.xlane v18, v15;
	vm1 =	vgt.s32 v28, v31  }
0x1ac: {  	v28 =	vsel vm1, v28, v31  }
0x1ad: {  	vm1 =	vgt.s32 v18, v35;
	v31 =	vperm.xlane v28, v15  }
0x1ae: {  	v18 =	vsel vm1, v18, v35  }
0x1af: {  	v35 =	vperm.xlane v18, v16;
	vm1 =	vgt.s32 v28, v31  }
0x1b0: {  	v28 =	vsel vm1, v28, v31  }
0x1b1: {  	vm1 =	vgt.s32 v18, v35;
	v31 =	vmov s10;
	v63 =	vperm.xlane v28, v16  }
0x1b2: {  	v29 =	vsel vm0, v30, v29;
	s31 =	simm.s32 $0x0;
	v18 =	vsel vm1, v18, v35;
	vm0 =	veq.s32 v31, v0  }
0x1b3: {  	v35 =	vsel vm0, v18, v29;
	v29 =	vmov s31;
	vm0 =	vgt.s32 v28, v63  }
0x1b4: {  	v18 =	vimm.s32 $0x0;
	v31 =	vsel vm0, v28, v63;
	vm0 =	veq.s32 v29, v0  }
0x1b5: {  	vm1 =	veq.s32 v31, v0;
	vm2 =	veq.s32 v31, v1;
	vm3 =	veq.s32 v31, v2  }
0x1b6: {  	vm4 =	veq.s32 v31, v4;
	v29 =	vsel vm1, $0xFF61B1E6, v32;
	v30 =	vsel vm2, $0xFF61B1E6, v33  }
0x1b7: {  	s11 =	simm.s32 $0x2;
	s10 =	simm.s32 $0x1;
	[tilespmem:$0x500] =	vst v35;
	v28 =	vsel vm3, $0xFF61B1E6, v34;
	vm3 =	veq.s32 v31, v3;
	vm1 =	vge.f32 v30, v29  }
.LBB2_8:
0x1b8: {  	p0 =	sne.s32 s11, $0xB;
	v32 =	vsel vm1, v30, v29;
	v19 =	vsel vm3, $0xFF61B1E6, v19;
	v25 =	vsel vm4, $0xFF61B1E6, v25  }
0x1b9: {  	vm3 =	veq.s32 v31, v5;
	vm4 =	veq.s32 v31, v6;
	vm2 =	vge.f32 v28, v32  }
0x1ba: {  	v26 =	vsel vm3, $0xFF61B1E6, v26;
	v27 =	vsel vm4, $0xFF61B1E6, v27;
	v32 =	vsel vm2, v28, v32  }
0x1bb: {  	vm5 =	veq.s32 v31, v8;
	vm4 =	veq.s32 v31, v7;
	vm3 =	vge.f32 v19, v32  }
0x1bc: {  	v22 =	vsel vm5, $0xFF61B1E6, v22;
	v21 =	vsel vm4, $0xFF61B1E6, v21;
	v32 =	vsel vm3, v19, v32  }
0x1bd: {  	vm6 =	veq.s32 v31, v10;
	vm5 =	veq.s32 v31, v9;
	vm4 =	vge.f32 v25, v32  }
0x1be: {  	v24 =	vsel vm6, $0xFF61B1E6, v24;
	v23 =	vsel vm5, $0xFF61B1E6, v23;
	v32 =	vsel vm4, v25, v32  }
0x1bf: {  	vm7 =	veq.s32 v31, v12;
	vm6 =	veq.s32 v31, v11;
	vm5 =	vge.f32 v26, v32  }
0x1c0: {  	v17 =	vsel vm7, $0xFF61B1E6, v17;
	v20 =	vsel vm6, $0xFF61B1E6, v20;
	v32 =	vsel vm5, v26, v32  }
0x1c1: {  	v18 =	vsel vm0, v31, v18;
	vm6 =	vge.f32 v27, v32  }
0x1c2: {  	v31 =	vsel vm6, v27, v32  }
0x1c3: {  	vm0 =	vge.f32 v21, v31  }
0x1c4: {  	v31 =	vsel vm0, v21, v31  }
0x1c5: {  	vm7 =	vge.f32 v22, v31  }
0x1c6: {  	v31 =	vsel vm7, v22, v31  }
0x1c7: {  	vm8 =	vge.f32 v23, v31  }
0x1c8: {  	v31 =	vsel vm8, v23, v31  }
0x1c9: {  	vm9 =	vge.f32 v24, v31  }
0x1ca: {  	v31 =	vsel vm9, v24, v31  }
0x1cb: {  	vm10 =	vge.f32 v20, v31  }
0x1cc: {  	v31 =	vsel vm10, v20, v31  }
0x1cd: {  	vm11 =	vge.f32 v17, v31  }
0x1ce: {  	v31 =	vsel vm11, v17, v31  }
0x1cf: {  	v32 =	vperm.xlane v31, v13  }
0x1d0: {  	v33 =	vsel vm1, v1, v0  }
0x1d1: {  	v33 =	vsel vm2, v2, v33;
	v32 =	vmax.f32 v31, v32  }
0x1d2: {  	v33 =	vsel vm3, v3, v33;
	v34 =	vperm.xlane v32, v14  }
0x1d3: {  	v33 =	vsel vm4, v4, v33  }
0x1d4: {  	v33 =	vsel vm5, v5, v33;
	v32 =	vmax.f32 v32, v34  }
0x1d5: {  	v33 =	vsel vm6, v6, v33;
	v34 =	vperm.xlane v32, v15  }
0x1d6: {  	v33 =	vsel vm0, v7, v33  }
0x1d7: {  	v33 =	vsel vm7, v8, v33;
	v32 =	vmax.f32 v32, v34  }
0x1d8: {  	v33 =	vsel vm8, v9, v33;
	v34 =	vperm.xlane v32, v16  }
0x1d9: {  	v33 =	vsel vm9, v10, v33  }
0x1da: {  	v33 =	vsel vm10, v11, v33;
	v32 =	vmax.f32 v32, v34  }
0x1db: {  	v33 =	vsel vm11, v12, v33;
	vm0 =	veq.f32 v31, v32  }
0x1dc: {  	v31 =	vnsel vm0, $0xFFFFFFFF, v33  }
0x1dd: {  	v32 =	vperm.xlane v31, v13;
	_ =	sdelay $0x1  }
0x1de: {  	vm0 =	vgt.s32 v31, v32  }
0x1df: {  	v31 =	vsel vm0, v31, v32  }
0x1e0: {  	v32 =	vperm.xlane v31, v14;
	_ =	sdelay $0x1  }
0x1e1: {  	vm0 =	vgt.s32 v31, v32  }
0x1e2: {  	v31 =	vsel vm0, v31, v32  }
0x1e3: {  	v32 =	vperm.xlane v31, v15;
	_ =	sdelay $0x1  }
0x1e4: {  	vm0 =	vgt.s32 v31, v32  }
0x1e5: {  	v31 =	vsel vm0, v31, v32  }
0x1e6: {  	v32 =	vperm.xlane v31, v16;
	_ =	sdelay $0x1  }
.Ltmp3:
0x1e7: {  	v33 =	vmov s10;
	s10 =	smov.u32 s11;
	vm0 =	vgt.s32 v31, v32;
	(pc) =	sbr.rel @p0 .LBB2_8-.Ltmp3, $4  }
0x1e8: {  	v31 =	vsel vm0, v31, v32;
	vm0 =	veq.s32 v33, v0  }
0x1e9: {  	vm1 =	veq.s32 v31, v0;
	vm2 =	veq.s32 v31, v1;
	vm3 =	veq.s32 v31, v2  }
0x1ea: {  	v29 =	vsel vm1, $0xFF61B1E6, v29;
	v30 =	vsel vm2, $0xFF61B1E6, v30;
	v28 =	vsel vm3, $0xFF61B1E6, v28  }
0x1eb: {  	s11 =	sadd.s32 $0x1, s11;
	vm4 =	veq.s32 v31, v4;
	vm3 =	veq.s32 v31, v3;
	vm1 =	vge.f32 v30, v29  }
0x1ec: {  	v29 =	vsel vm1, v30, v29  }
0x1ed: {  	vm2 =	vge.f32 v28, v29  }
0x1ee: {  	v19 =	vsel vm3, $0xFF61B1E6, v19;
	v28 =	vsel vm2, v28, v29  }
0x1ef: {  	vm3 =	vge.f32 v19, v28  }
0x1f0: {  	v25 =	vsel vm4, $0xFF61B1E6, v25;
	v19 =	vsel vm3, v19, v28  }
0x1f1: {  	vm5 =	veq.s32 v31, v5;
	vm4 =	vge.f32 v25, v19  }
0x1f2: {  	v26 =	vsel vm5, $0xFF61B1E6, v26;
	v19 =	vsel vm4, v25, v19  }
0x1f3: {  	vm6 =	veq.s32 v31, v6;
	vm5 =	vge.f32 v26, v19  }
0x1f4: {  	v58 =	vsel vm6, $0xFF61B1E6, v27;
	v19 =	vsel vm5, v26, v19  }
0x1f5: {  	vm7 =	veq.s32 v31, v7;
	vm6 =	vge.f32 v58, v19  }
0x1f6: {  	v21 =	vsel vm7, $0xFF61B1E6, v21;
	v19 =	vsel vm6, v58, v19  }
0x1f7: {  	vm14 =	veq.s32 v31, v8;
	vm8 =	vge.f32 v21, v19  }
0x1f8: {  	v22 =	vsel vm14, $0xFF61B1E6, v22;
	v19 =	vsel vm8, v21, v19  }
0x1f9: {  	vm15 =	veq.s32 v31, v9;
	vm9 =	vge.f32 v22, v19  }
0x1fa: {  	v59 =	vsel vm15, $0xFF61B1E6, v23;
	v19 =	vsel vm9, v22, v19  }
0x1fb: {  	vm12 =	veq.s32 v31, v10;
	vm10 =	vge.f32 v59, v19  }
0x1fc: {  	v60 =	vsel vm12, $0xFF61B1E6, v24;
	v19 =	vsel vm10, v59, v19  }
0x1fd: {  	vm13 =	veq.s32 v31, v11;
	vm11 =	vge.f32 v60, v19  }
0x1fe: {  	v20 =	vsel vm13, $0xFF61B1E6, v20;
	v19 =	vsel vm11, v60, v19  }
0x1ff: {  	vm7 =	veq.s32 v31, v12;
	vm12 =	vge.f32 v20, v19  }
0x200: {  	v17 =	vsel vm7, $0xFF61B1E6, v17;
	v19 =	vsel vm12, v20, v19  }
0x201: {  	vm7 =	vge.f32 v17, v19  }
0x202: {  	v17 =	vsel vm7, v17, v19  }
0x203: {  	v19 =	vperm.xlane v17, v13  }
0x204: {  	v61 =	vsel vm1, v1, v0  }
0x205: {  	v20 =	vsel vm2, v2, v61;
	v19 =	vmax.f32 v17, v19  }
0x206: {  	v20 =	vsel vm3, v3, v20;
	v62 =	vperm.xlane v19, v14  }
0x207: {  	v20 =	vsel vm4, v4, v20  }
0x208: {  	v20 =	vsel vm5, v5, v20;
	v19 =	vmax.f32 v19, v62  }
0x209: {  	v20 =	vsel vm6, v6, v20;
	v21 =	vperm.xlane v19, v15  }
0x20a: {  	v20 =	vsel vm8, v7, v20  }
0x20b: {  	v20 =	vsel vm9, v8, v20;
	v19 =	vmax.f32 v19, v21  }
0x20c: {  	v20 =	vsel vm10, v9, v20;
	v21 =	vperm.xlane v19, v16  }
0x20d: {  	v20 =	vsel vm11, v10, v20  }
0x20e: {  	v20 =	vsel vm12, v11, v20;
	v19 =	vmax.f32 v19, v21  }
0x20f: {  	v20 =	vsel vm7, v12, v20;
	vm14 =	veq.f32 v17, v19  }
0x210: {  	v17 =	vnsel vm14, $0xFFFFFFFF, v20  }
0x211: {  	v19 =	vperm.xlane v17, v13;
	_ =	sdelay $0x1  }
0x212: {  	vm1 =	vgt.s32 v17, v19  }
0x213: {  	v17 =	vsel vm1, v17, v19  }
0x214: {  	v19 =	vperm.xlane v17, v14;
	_ =	sdelay $0x1  }
0x215: {  	vm1 =	vgt.s32 v17, v19  }
0x216: {  	v17 =	vsel vm1, v17, v19  }
0x217: {  	v19 =	vperm.xlane v17, v15;
	_ =	sdelay $0x1  }
0x218: {  	vm1 =	vgt.s32 v17, v19  }
0x219: {  	v17 =	vsel vm1, v17, v19  }
0x21a: {  	v19 =	vperm.xlane v17, v16;
	_ =	sdelay $0x1  }
0x21b: {  	v63 =	vmov s10;
	vm1 =	vgt.s32 v17, v19  }
0x21c: {  	v18 =	vsel vm0, v31, v18;
	s9 =	sadd.s32 $0x1, s9;
	vm15 =	veq.s32 v63, v0;
	v17 =	vsel vm1, v17, v19  }
0x21d: {  	p0 =	sne.s32 s9, s5;
	v17 =	vsel vm15, v17, v18  }
.Ltmp4:
0x21e: {  	[tilespmem:$0x580] =	vst v17;
	(pc) =	sbr.rel @p0 .LBB2_1-.Ltmp4, $4  }
0x21f: {  	[hbm4b:s4+s2] =	stream.linear.scatter [tilespmem:s7], [sflag:$0x1], $0x200, $0x38;
	[tilespmem:$0x600] =	vst v63  }
0x220: {  	_ =	swait.ge [sflag:s8], $0x200  }
0x221: {  	[sflag:s8] =	ssyncset.done $0x0  }
0x222: {  	[sflag:s8] =	ssyncadd.s32 $0xFFFFFE00  }
0x223: {  	_ =	sfence.sel $0x180000  }
0x224: {  	[bflag:$0x0] =	sbarrier.arrive $0xFFFF  }
0x225: {  	p0 =	sne.s32 s1, $0x0;
	_ =	strace $0x90000047  }
0x226: {  	s0 =	sadd.s32 @!p0 $0x100000, s0;
	[bflag:$0x2] =	sbarrier.arrive $0xFFFF  }
0x227: {  	[sflag:s0] =	ssyncadd.tile.s32 @!p0 $0x1;
	_ =	shalt  }
.Lfunc_end2:
_tile_overlayer_lowered:
.L_overlay_start_2:
0x228: {  	(tag) =	ssettag $0x2  }
0x229: {  	s0 =	rddreg [dreg:$0x0];
	s2 =	stileid.u32  }
0x22a: {  	s1 =	rddreg [dreg:$0x1];
	p0 =	sne.s32 s2, $0x0  }
0x22b: {  	s3 =	rddreg [dreg:$0x2];
	[bflag:$0x3] =	sbarrier.arrive $0xFFFF;
	s2 =	simm.s32 @!p0 $0x1C01  }
0x22c: {  	[timem:s3], [sflag:s2] =	dma.local @!p0 [hbm:s0], s1  }
0x22d: {  	s0 =	simm.s32 @!p0 $0x1  }
0x22e: {  	_ =	swait.ge @!p0 [sflag:s0], s1  }
0x22f: {  	s1 =	ssub.s32 @!p0 $0x0, s1;
	[sflag:s0] =	ssyncset.done @!p0 $0x0  }
0x230: {  	[sflag:s0] =	ssyncadd.s32 @!p0 s1  }
0x231: {  	[bflag:$0x3] =	sbarrier.arrive $0xFFFF  }
0x232: {  	_ =	shalt  }

</sc_bundles>
